<compile_context>
chip_gen: v7x
topology: tpu7x:2x2x1
jax: 0.10.2.dev20260603
libtpu: 0.0.44.dev20260713+nightly
codegen_flags: <defaults>
</compile_context>

<pallas_src>
import functools

import jax
import jax.numpy as jnp
from jax import lax
from jax.experimental import pallas as pl
from jax.experimental.pallas import tpu as pltpu
from jax.experimental.pallas import tpu_sc as plsc

D = 64
R = 16
IDX_W = 128
KI = 8
CHUNK = IDX_W * KI


def _make_sc_gather(n_tokens: int):
    info = plsc.get_sparse_core_info()
    nc, ns = info.num_cores, info.num_subcores
    nw = nc * ns
    per_w = n_tokens // nw
    assert n_tokens % (nw * CHUNK) == 0
    n_chunks = per_w // CHUNK
    rows_per_chunk = CHUNK // IDX_W

    mesh = plsc.VectorSubcoreMesh(core_axis_name="c", subcore_axis_name="s")

    @functools.partial(
        pl.kernel,
        mesh=mesh,
        compiler_params=pltpu.CompilerParams(use_tc_tiling_on_sc=False),
        out_type=[
            jax.ShapeDtypeStruct((n_tokens // IDX_W, IDX_W, D), jnp.float32),
            jax.ShapeDtypeStruct((n_tokens // IDX_W, IDX_W, R), jnp.float32),
        ],
        scratch_types=[
            pltpu.VMEM((KI, IDX_W), jnp.int32),
            pltpu.VMEM((KI, IDX_W, D), jnp.float32),
            pltpu.VMEM((KI, IDX_W, R), jnp.float32),
            pltpu.SemaphoreType.DMA,
            pltpu.SemaphoreType.DMA,
        ],
    )
    def sc_gather(idx_hbm, table_hbm, art_hbm, base_hbm, ar_hbm,
                  idx_v, rows_v, ar_v, sem_rows, sem_ar):
        wid = lax.axis_index("s") * nc + lax.axis_index("c")
        row0 = wid * (per_w // IDX_W)

        def body(i, _):
            rbase = row0 + i * rows_per_chunk
            pltpu.sync_copy(idx_hbm.at[pl.ds(rbase, rows_per_chunk)], idx_v)
            cps = []
            for j in range(KI):
                cps.append(pltpu.async_copy(
                    table_hbm.at[idx_v.at[j]], rows_v.at[j], sem_rows))
                cps.append(pltpu.async_copy(
                    art_hbm.at[idx_v.at[j]], ar_v.at[j], sem_ar))
            for cp in cps:
                cp.wait()
            pltpu.sync_copy(rows_v, base_hbm.at[pl.ds(rbase, rows_per_chunk)])
            pltpu.sync_copy(ar_v, ar_hbm.at[pl.ds(rbase, rows_per_chunk)])
            return 0

        lax.fori_loop(0, n_chunks, body, 0)

    return sc_gather


def _tc_combine_body(base_ref, ar_ref, lb_ref, out_ref):
    lora = lax.dot_general(
        ar_ref[...], lb_ref[...],
        dimension_numbers=(((1,), (1,)), ((), ())),
        preferred_element_type=jnp.float32)
    out_ref[...] = base_ref[...] + lora


def _tc_combine(base, ar, lora_B, bm: int):
    n = base.shape[0]
    assert n % bm == 0
    return pl.pallas_call(
        _tc_combine_body,
        grid=(n // bm,),
        in_specs=[
            pl.BlockSpec((bm, D), lambda i: (i, 0)),
            pl.BlockSpec((bm, R), lambda i: (i, 0)),
            pl.BlockSpec((D, R), lambda i: (0, 0)),
        ],
        out_specs=pl.BlockSpec((bm, D), lambda i: (i, 0)),
        out_shape=jax.ShapeDtypeStruct((n, D), jnp.float32),
    )(base, ar, lora_B)


def kernel(x, table, lora_A, lora_B):
    b, s = x.shape
    n = b * s
    idx = x.reshape(n // IDX_W, IDX_W)
    art = lora_A.T

    base3, ar3 = _make_sc_gather(n)(idx, table, art)
    base = base3.reshape(n, D)
    ar = ar3.reshape(n, R)
    out = _tc_combine(base, ar, lora_B, bm=4096)
    return out.reshape(b, s, D)

# --- scband reference (transcript-rebuilt; emitter-appended) ---
"""Pipeline reference for scband-vocab-embedding-with-lo-ra-6588479832425 (READ-ONLY COPY).

The authoritative reference and input builder live on the scoring server;
editing this copy changes nothing except your own understanding.
"""

import jax, jax.numpy as jnp
import numpy as np

VOCAB = 1000000
D = 64
R = 16
B = 4096
S = 200


def setup_inputs(seed: int = 0) -> dict:
    key = jax.random.key(seed)
    k1, k2, k3, k4 = jax.random.split(key, 4)
    x = jax.random.randint(k1, (B, S), 0, VOCAB, dtype=jnp.int32)
    table = jax.random.normal(k2, (VOCAB, D), dtype=jnp.float32) * 0.02
    lora_A = jax.random.normal(k3, (R, VOCAB), dtype=jnp.float32) * 0.02
    lora_B = jax.random.normal(k4, (D, R), dtype=jnp.float32) * 0.02
    return {"x": x, "table": table, "lora_A": lora_A, "lora_B": lora_B}


def reference(x, table, lora_A, lora_B):
    # base embedding lookup: base_out = base(x)
    Bdim, Sdim = x.shape
    base_out = jnp.take(table, x, axis=0)  # [B, S, D]
    # LoRA path: ar = F.embedding(x.view(-1), lora_A.t())  -> gather rows of lora_A^T
    ar = jnp.take(lora_A.T, x.reshape(-1), axis=0)  # [B*S, R]
    # lora_out = ar @ lora_B.t()
    lora_out = ar @ lora_B.T  # [B*S, D]
    out = base_out + lora_out.reshape(Bdim, Sdim, -1)
    return out

if __name__ == "__main__":
    import jax
    _d = setup_inputs()
    print(jax.jit(kernel)(*tuple(_d.values())))

</pallas_src>

<mosaic_0001>
#map = affine_map<(d0, d1) -> (0, 0)>
#map1 = affine_map<(d0, d1) -> (0, 0, 0)>
module attributes {stable_mosaic.version = 14 : i64} {
  func.func @sc_gather(%arg0: i32, %arg1: i32, %arg2: memref<6400x128xi32, #tpu.memory_space<hbm>>, %arg3: memref<1000000x64xf32, #tpu.memory_space<hbm>>, %arg4: memref<1000000x16xf32, #tpu.memory_space<hbm>>, %arg5: memref<6400x128x64xf32, #tpu.memory_space<hbm>>, %arg6: memref<6400x128x16xf32, #tpu.memory_space<hbm>>, %arg7: memref<8x128xi32, #tpu.memory_space<vmem>>, %arg8: memref<8x128x64xf32, #tpu.memory_space<vmem>>, %arg9: memref<8x128x16xf32, #tpu.memory_space<vmem>>, %arg10: memref<!tpu.dma_semaphore, #tpu.memory_space<semaphore_mem>>, %arg11: memref<!tpu.dma_semaphore, #tpu.memory_space<semaphore_mem>>) attributes {dimension_semantics = [#tpu.dimension_semantics<core_parallel>, #tpu.dimension_semantics<subcore_parallel>], iteration_bounds = array<i64: 2, 16>, scalar_prefetch = 0 : i64, scratch_operands = 5 : i64, tpu.core_type = #tpu.core_type<sc_vector_subcore>, window_params = [{transform_indices = #map}, {transform_indices = #map}, {transform_indices = #map}, {transform_indices = #map1}, {transform_indices = #map1}]} {
    %mul3A = arith.constant 2 : i32
    %mul3A_0 = arith.muli %arg1, %mul3A : i32
    %add3A = arith.addi %mul3A_0, %arg0 : i32
    %mul3A_1 = arith.constant 200 : i32
    %mul3A_2 = arith.muli %add3A, %mul3A_1 : i32
    %scan3A = arith.constant 0 : i32
    %scan3A_3 = arith.constant 0 : i32
    %scan3A_4 = arith.constant 25 : i32
    %scan3A_5 = arith.addi %scan3A_3, %scan3A_4 : i32
    %scan3A_6 = arith.constant 1 : i32
    %scan3A_7 = scf.for %scan3A_9 = %scan3A_3 to %scan3A_5 step %scan3A_6 iter_args(%scan3A_10 = %scan3A) -> (i32)  : i32 {
      %mul3A_11 = arith.constant 8 : i32
      %mul3A_12 = arith.muli %scan3A_9, %mul3A_11 : i32
      %add3A_13 = arith.addi %mul3A_2, %mul3A_12 : i32
      "tpu.region"() ({
        %run_scoped3A = tpu.sem_alloc : memref<!tpu.dma_semaphore, #tpu.memory_space<semaphore_mem>>
        %dma_start3A_397 = arith.constant 0 : i32
        %dma_start3A_398 = tpu.memref_slice %arg2[%add3A_13, %dma_start3A_397] : memref<6400x128xi32, #tpu.memory_space<hbm>> -> memref<8x128xi32, #tpu.memory_space<hbm>>
        %dma_start3A_399 = arith.constant 0 : i32
        %dma_start3A_400 = tpu.memref_slice %arg2[%add3A_13, %dma_start3A_399] : memref<6400x128xi32, #tpu.memory_space<hbm>> -> memref<8x128xi32, #tpu.memory_space<hbm>>
        tpu.enqueue_dma source(%dma_start3A_400 : memref<8x128xi32, #tpu.memory_space<hbm>>) target(%arg7 : memref<8x128xi32, #tpu.memory_space<vmem>>) target_semaphore(%run_scoped3A : memref<!tpu.dma_semaphore, #tpu.memory_space<semaphore_mem>>)
        %dma_wait3A_401 = arith.constant 0 : i32
        %dma_wait3A_402 = tpu.memref_slice %arg2[%add3A_13, %dma_wait3A_401] : memref<6400x128xi32, #tpu.memory_space<hbm>> -> memref<8x128xi32, #tpu.memory_space<hbm>>
        %dma_wait3A_403 = arith.constant 0 : i32
        %dma_wait3A_404 = tpu.memref_slice %arg2[%add3A_13, %dma_wait3A_403] : memref<6400x128xi32, #tpu.memory_space<hbm>> -> memref<8x128xi32, #tpu.memory_space<hbm>>
        tpu.wait_dma2 semaphore(%run_scoped3A : memref<!tpu.dma_semaphore, #tpu.memory_space<semaphore_mem>>) src(%dma_wait3A_404 : memref<8x128xi32, #tpu.memory_space<hbm>>) dst(%arg7 : memref<8x128xi32, #tpu.memory_space<vmem>>)
        tpu.yield
      }) : () -> ()
      %dma_start3A = arith.constant 0 : i32
      %dma_start3A_14 = arith.constant 0 : i32
      %dma_start3A_15 = arith.constant 0 : i32
      %dma_start3A_16 = arith.constant 0 : i32
      %dma_start3A_17 = tpu.memref_slice %arg8[%dma_start3A_14, %dma_start3A_15, %dma_start3A_16] : memref<8x128x64xf32, #tpu.memory_space<vmem>> -> memref<1x128x64xf32, #tpu.memory_space<vmem>>
      %dma_start3A_18 = tpu.memref_squeeze %dma_start3A_17 : memref<1x128x64xf32, #tpu.memory_space<vmem>> -> memref<128x64xf32, #tpu.memory_space<vmem>>
      %dma_start3A_19 = arith.constant 0 : i32
      %dma_start3A_20 = tpu.memref_slice %arg7[%dma_start3A, %dma_start3A_19] : memref<8x128xi32, #tpu.memory_space<vmem>> -> memref<1x128xi32, #tpu.memory_space<vmem>>
      %dma_start3A_21 = tpu.memref_squeeze %dma_start3A_20 : memref<1x128xi32, #tpu.memory_space<vmem>> -> memref<128xi32, #tpu.memory_space<vmem>>
      %dma_start3A_22 = arith.constant 0 : i32
      %dma_start3A_23 = arith.constant 0 : i32
      %dma_start3A_24 = tpu.memref_slice %arg3[%dma_start3A_22, %dma_start3A_23] : memref<1000000x64xf32, #tpu.memory_space<hbm>> -> memref<1000000x64xf32, #tpu.memory_space<hbm>>
      tpu.enqueue_indirect_dma source(%dma_start3A_24 : memref<1000000x64xf32, #tpu.memory_space<hbm>>) target(%dma_start3A_18 : memref<128x64xf32, #tpu.memory_space<vmem>>) offsets(%dma_start3A_21 : memref<128xi32, #tpu.memory_space<vmem>>) semaphore(%arg10 : memref<!tpu.dma_semaphore, #tpu.memory_space<semaphore_mem>>)
      %dma_start3A_25 = arith.constant 0 : i32
      %dma_start3A_26 = arith.constant 0 : i32
      %dma_start3A_27 = arith.constant 0 : i32
      %dma_start3A_28 = arith.constant 0 : i32
      %dma_start3A_29 = tpu.memref_slice %arg9[%dma_start3A_26, %dma_start3A_27, %dma_start3A_28] : memref<8x128x16xf32, #tpu.memory_space<vmem>> -> memref<1x128x16xf32, #tpu.memory_space<vmem>>
      %dma_start3A_30 = tpu.memref_squeeze %dma_start3A_29 : memref<1x128x16xf32, #tpu.memory_space<vmem>> -> memref<128x16xf32, #tpu.memory_space<vmem>>
      %dma_start3A_31 = arith.constant 0 : i32
      %dma_start3A_32 = tpu.memref_slice %arg7[%dma_start3A_25, %dma_start3A_31] : memref<8x128xi32, #tpu.memory_space<vmem>> -> memref<1x128xi32, #tpu.memory_space<vmem>>
      %dma_start3A_33 = tpu.memref_squeeze %dma_start3A_32 : memref<1x128xi32, #tpu.memory_space<vmem>> -> memref<128xi32, #tpu.memory_space<vmem>>
      %dma_start3A_34 = arith.constant 0 : i32
      %dma_start3A_35 = arith.constant 0 : i32
      %dma_start3A_36 = tpu.memref_slice %arg4[%dma_start3A_34, %dma_start3A_35] : memref<1000000x16xf32, #tpu.memory_space<hbm>> -> memref<1000000x16xf32, #tpu.memory_space<hbm>>
      tpu.enqueue_indirect_dma source(%dma_start3A_36 : memref<1000000x16xf32, #tpu.memory_space<hbm>>) target(%dma_start3A_30 : memref<128x16xf32, #tpu.memory_space<vmem>>) offsets(%dma_start3A_33 : memref<128xi32, #tpu.memory_space<vmem>>) semaphore(%arg11 : memref<!tpu.dma_semaphore, #tpu.memory_space<semaphore_mem>>)
      %dma_start3A_37 = arith.constant 1 : i32
      %dma_start3A_38 = arith.constant 1 : i32
      %dma_start3A_39 = arith.constant 0 : i32
      %dma_start3A_40 = arith.constant 0 : i32
      %dma_start3A_41 = tpu.memref_slice %arg8[%dma_start3A_38, %dma_start3A_39, %dma_start3A_40] : memref<8x128x64xf32, #tpu.memory_space<vmem>> -> memref<1x128x64xf32, #tpu.memory_space<vmem>>
      %dma_start3A_42 = tpu.memref_squeeze %dma_start3A_41 : memref<1x128x64xf32, #tpu.memory_space<vmem>> -> memref<128x64xf32, #tpu.memory_space<vmem>>
      %dma_start3A_43 = arith.constant 0 : i32
      %dma_start3A_44 = tpu.memref_slice %arg7[%dma_start3A_37, %dma_start3A_43] : memref<8x128xi32, #tpu.memory_space<vmem>> -> memref<1x128xi32, #tpu.memory_space<vmem>>
      %dma_start3A_45 = tpu.memref_squeeze %dma_start3A_44 : memref<1x128xi32, #tpu.memory_space<vmem>> -> memref<128xi32, #tpu.memory_space<vmem>>
      %dma_start3A_46 = arith.constant 0 : i32
      %dma_start3A_47 = arith.constant 0 : i32
      %dma_start3A_48 = tpu.memref_slice %arg3[%dma_start3A_46, %dma_start3A_47] : memref<1000000x64xf32, #tpu.memory_space<hbm>> -> memref<1000000x64xf32, #tpu.memory_space<hbm>>
      tpu.enqueue_indirect_dma source(%dma_start3A_48 : memref<1000000x64xf32, #tpu.memory_space<hbm>>) target(%dma_start3A_42 : memref<128x64xf32, #tpu.memory_space<vmem>>) offsets(%dma_start3A_45 : memref<128xi32, #tpu.memory_space<vmem>>) semaphore(%arg10 : memref<!tpu.dma_semaphore, #tpu.memory_space<semaphore_mem>>)
      %dma_start3A_49 = arith.constant 1 : i32
      %dma_start3A_50 = arith.constant 1 : i32
      %dma_start3A_51 = arith.constant 0 : i32
      %dma_start3A_52 = arith.constant 0 : i32
      %dma_start3A_53 = tpu.memref_slice %arg9[%dma_start3A_50, %dma_start3A_51, %dma_start3A_52] : memref<8x128x16xf32, #tpu.memory_space<vmem>> -> memref<1x128x16xf32, #tpu.memory_space<vmem>>
      %dma_start3A_54 = tpu.memref_squeeze %dma_start3A_53 : memref<1x128x16xf32, #tpu.memory_space<vmem>> -> memref<128x16xf32, #tpu.memory_space<vmem>>
      %dma_start3A_55 = arith.constant 0 : i32
      %dma_start3A_56 = tpu.memref_slice %arg7[%dma_start3A_49, %dma_start3A_55] : memref<8x128xi32, #tpu.memory_space<vmem>> -> memref<1x128xi32, #tpu.memory_space<vmem>>
      %dma_start3A_57 = tpu.memref_squeeze %dma_start3A_56 : memref<1x128xi32, #tpu.memory_space<vmem>> -> memref<128xi32, #tpu.memory_space<vmem>>
      %dma_start3A_58 = arith.constant 0 : i32
      %dma_start3A_59 = arith.constant 0 : i32
      %dma_start3A_60 = tpu.memref_slice %arg4[%dma_start3A_58, %dma_start3A_59] : memref<1000000x16xf32, #tpu.memory_space<hbm>> -> memref<1000000x16xf32, #tpu.memory_space<hbm>>
      tpu.enqueue_indirect_dma source(%dma_start3A_60 : memref<1000000x16xf32, #tpu.memory_space<hbm>>) target(%dma_start3A_54 : memref<128x16xf32, #tpu.memory_space<vmem>>) offsets(%dma_start3A_57 : memref<128xi32, #tpu.memory_space<vmem>>) semaphore(%arg11 : memref<!tpu.dma_semaphore, #tpu.memory_space<semaphore_mem>>)
      %dma_start3A_61 = arith.constant 2 : i32
      %dma_start3A_62 = arith.constant 2 : i32
      %dma_start3A_63 = arith.constant 0 : i32
      %dma_start3A_64 = arith.constant 0 : i32
      %dma_start3A_65 = tpu.memref_slice %arg8[%dma_start3A_62, %dma_start3A_63, %dma_start3A_64] : memref<8x128x64xf32, #tpu.memory_space<vmem>> -> memref<1x128x64xf32, #tpu.memory_space<vmem>>
      %dma_start3A_66 = tpu.memref_squeeze %dma_start3A_65 : memref<1x128x64xf32, #tpu.memory_space<vmem>> -> memref<128x64xf32, #tpu.memory_space<vmem>>
      %dma_start3A_67 = arith.constant 0 : i32
      %dma_start3A_68 = tpu.memref_slice %arg7[%dma_start3A_61, %dma_start3A_67] : memref<8x128xi32, #tpu.memory_space<vmem>> -> memref<1x128xi32, #tpu.memory_space<vmem>>
      %dma_start3A_69 = tpu.memref_squeeze %dma_start3A_68 : memref<1x128xi32, #tpu.memory_space<vmem>> -> memref<128xi32, #tpu.memory_space<vmem>>
      %dma_start3A_70 = arith.constant 0 : i32
      %dma_start3A_71 = arith.constant 0 : i32
      %dma_start3A_72 = tpu.memref_slice %arg3[%dma_start3A_70, %dma_start3A_71] : memref<1000000x64xf32, #tpu.memory_space<hbm>> -> memref<1000000x64xf32, #tpu.memory_space<hbm>>
      tpu.enqueue_indirect_dma source(%dma_start3A_72 : memref<1000000x64xf32, #tpu.memory_space<hbm>>) target(%dma_start3A_66 : memref<128x64xf32, #tpu.memory_space<vmem>>) offsets(%dma_start3A_69 : memref<128xi32, #tpu.memory_space<vmem>>) semaphore(%arg10 : memref<!tpu.dma_semaphore, #tpu.memory_space<semaphore_mem>>)
      %dma_start3A_73 = arith.constant 2 : i32
      %dma_start3A_74 = arith.constant 2 : i32
      %dma_start3A_75 = arith.constant 0 : i32
      %dma_start3A_76 = arith.constant 0 : i32
      %dma_start3A_77 = tpu.memref_slice %arg9[%dma_start3A_74, %dma_start3A_75, %dma_start3A_76] : memref<8x128x16xf32, #tpu.memory_space<vmem>> -> memref<1x128x16xf32, #tpu.memory_space<vmem>>
      %dma_start3A_78 = tpu.memref_squeeze %dma_start3A_77 : memref<1x128x16xf32, #tpu.memory_space<vmem>> -> memref<128x16xf32, #tpu.memory_space<vmem>>
      %dma_start3A_79 = arith.constant 0 : i32
      %dma_start3A_80 = tpu.memref_slice %arg7[%dma_start3A_73, %dma_start3A_79] : memref<8x128xi32, #tpu.memory_space<vmem>> -> memref<1x128xi32, #tpu.memory_space<vmem>>
      %dma_start3A_81 = tpu.memref_squeeze %dma_start3A_80 : memref<1x128xi32, #tpu.memory_space<vmem>> -> memref<128xi32, #tpu.memory_space<vmem>>
      %dma_start3A_82 = arith.constant 0 : i32
      %dma_start3A_83 = arith.constant 0 : i32
      %dma_start3A_84 = tpu.memref_slice %arg4[%dma_start3A_82, %dma_start3A_83] : memref<1000000x16xf32, #tpu.memory_space<hbm>> -> memref<1000000x16xf32, #tpu.memory_space<hbm>>
      tpu.enqueue_indirect_dma source(%dma_start3A_84 : memref<1000000x16xf32, #tpu.memory_space<hbm>>) target(%dma_start3A_78 : memref<128x16xf32, #tpu.memory_space<vmem>>) offsets(%dma_start3A_81 : memref<128xi32, #tpu.memory_space<vmem>>) semaphore(%arg11 : memref<!tpu.dma_semaphore, #tpu.memory_space<semaphore_mem>>)
      %dma_start3A_85 = arith.constant 3 : i32
      %dma_start3A_86 = arith.constant 3 : i32
      %dma_start3A_87 = arith.constant 0 : i32
      %dma_start3A_88 = arith.constant 0 : i32
      %dma_start3A_89 = tpu.memref_slice %arg8[%dma_start3A_86, %dma_start3A_87, %dma_start3A_88] : memref<8x128x64xf32, #tpu.memory_space<vmem>> -> memref<1x128x64xf32, #tpu.memory_space<vmem>>
      %dma_start3A_90 = tpu.memref_squeeze %dma_start3A_89 : memref<1x128x64xf32, #tpu.memory_space<vmem>> -> memref<128x64xf32, #tpu.memory_space<vmem>>
      %dma_start3A_91 = arith.constant 0 : i32
      %dma_start3A_92 = tpu.memref_slice %arg7[%dma_start3A_85, %dma_start3A_91] : memref<8x128xi32, #tpu.memory_space<vmem>> -> memref<1x128xi32, #tpu.memory_space<vmem>>
      %dma_start3A_93 = tpu.memref_squeeze %dma_start3A_92 : memref<1x128xi32, #tpu.memory_space<vmem>> -> memref<128xi32, #tpu.memory_space<vmem>>
      %dma_start3A_94 = arith.constant 0 : i32
      %dma_start3A_95 = arith.constant 0 : i32
      %dma_start3A_96 = tpu.memref_slice %arg3[%dma_start3A_94, %dma_start3A_95] : memref<1000000x64xf32, #tpu.memory_space<hbm>> -> memref<1000000x64xf32, #tpu.memory_space<hbm>>
      tpu.enqueue_indirect_dma source(%dma_start3A_96 : memref<1000000x64xf32, #tpu.memory_space<hbm>>) target(%dma_start3A_90 : memref<128x64xf32, #tpu.memory_space<vmem>>) offsets(%dma_start3A_93 : memref<128xi32, #tpu.memory_space<vmem>>) semaphore(%arg10 : memref<!tpu.dma_semaphore, #tpu.memory_space<semaphore_mem>>)
      %dma_start3A_97 = arith.constant 3 : i32
      %dma_start3A_98 = arith.constant 3 : i32
      %dma_start3A_99 = arith.constant 0 : i32
      %dma_start3A_100 = arith.constant 0 : i32
      %dma_start3A_101 = tpu.memref_slice %arg9[%dma_start3A_98, %dma_start3A_99, %dma_start3A_100] : memref<8x128x16xf32, #tpu.memory_space<vmem>> -> memref<1x128x16xf32, #tpu.memory_space<vmem>>
      %dma_start3A_102 = tpu.memref_squeeze %dma_start3A_101 : memref<1x128x16xf32, #tpu.memory_space<vmem>> -> memref<128x16xf32, #tpu.memory_space<vmem>>
      %dma_start3A_103 = arith.constant 0 : i32
      %dma_start3A_104 = tpu.memref_slice %arg7[%dma_start3A_97, %dma_start3A_103] : memref<8x128xi32, #tpu.memory_space<vmem>> -> memref<1x128xi32, #tpu.memory_space<vmem>>
      %dma_start3A_105 = tpu.memref_squeeze %dma_start3A_104 : memref<1x128xi32, #tpu.memory_space<vmem>> -> memref<128xi32, #tpu.memory_space<vmem>>
      %dma_start3A_106 = arith.constant 0 : i32
      %dma_start3A_107 = arith.constant 0 : i32
      %dma_start3A_108 = tpu.memref_slice %arg4[%dma_start3A_106, %dma_start3A_107] : memref<1000000x16xf32, #tpu.memory_space<hbm>> -> memref<1000000x16xf32, #tpu.memory_space<hbm>>
      tpu.enqueue_indirect_dma source(%dma_start3A_108 : memref<1000000x16xf32, #tpu.memory_space<hbm>>) target(%dma_start3A_102 : memref<128x16xf32, #tpu.memory_space<vmem>>) offsets(%dma_start3A_105 : memref<128xi32, #tpu.memory_space<vmem>>) semaphore(%arg11 : memref<!tpu.dma_semaphore, #tpu.memory_space<semaphore_mem>>)
      %dma_start3A_109 = arith.constant 4 : i32
      %dma_start3A_110 = arith.constant 4 : i32
      %dma_start3A_111 = arith.constant 0 : i32
      %dma_start3A_112 = arith.constant 0 : i32
      %dma_start3A_113 = tpu.memref_slice %arg8[%dma_start3A_110, %dma_start3A_111, %dma_start3A_112] : memref<8x128x64xf32, #tpu.memory_space<vmem>> -> memref<1x128x64xf32, #tpu.memory_space<vmem>>
      %dma_start3A_114 = tpu.memref_squeeze %dma_start3A_113 : memref<1x128x64xf32, #tpu.memory_space<vmem>> -> memref<128x64xf32, #tpu.memory_space<vmem>>
      %dma_start3A_115 = arith.constant 0 : i32
      %dma_start3A_116 = tpu.memref_slice %arg7[%dma_start3A_109, %dma_start3A_115] : memref<8x128xi32, #tpu.memory_space<vmem>> -> memref<1x128xi32, #tpu.memory_space<vmem>>
      %dma_start3A_117 = tpu.memref_squeeze %dma_start3A_116 : memref<1x128xi32, #tpu.memory_space<vmem>> -> memref<128xi32, #tpu.memory_space<vmem>>
      %dma_start3A_118 = arith.constant 0 : i32
      %dma_start3A_119 = arith.constant 0 : i32
      %dma_start3A_120 = tpu.memref_slice %arg3[%dma_start3A_118, %dma_start3A_119] : memref<1000000x64xf32, #tpu.memory_space<hbm>> -> memref<1000000x64xf32, #tpu.memory_space<hbm>>
      tpu.enqueue_indirect_dma source(%dma_start3A_120 : memref<1000000x64xf32, #tpu.memory_space<hbm>>) target(%dma_start3A_114 : memref<128x64xf32, #tpu.memory_space<vmem>>) offsets(%dma_start3A_117 : memref<128xi32, #tpu.memory_space<vmem>>) semaphore(%arg10 : memref<!tpu.dma_semaphore, #tpu.memory_space<semaphore_mem>>)
      %dma_start3A_121 = arith.constant 4 : i32
      %dma_start3A_122 = arith.constant 4 : i32
      %dma_start3A_123 = arith.constant 0 : i32
      %dma_start3A_124 = arith.constant 0 : i32
      %dma_start3A_125 = tpu.memref_slice %arg9[%dma_start3A_122, %dma_start3A_123, %dma_start3A_124] : memref<8x128x16xf32, #tpu.memory_space<vmem>> -> memref<1x128x16xf32, #tpu.memory_space<vmem>>
      %dma_start3A_126 = tpu.memref_squeeze %dma_start3A_125 : memref<1x128x16xf32, #tpu.memory_space<vmem>> -> memref<128x16xf32, #tpu.memory_space<vmem>>
      %dma_start3A_127 = arith.constant 0 : i32
      %dma_start3A_128 = tpu.memref_slice %arg7[%dma_start3A_121, %dma_start3A_127] : memref<8x128xi32, #tpu.memory_space<vmem>> -> memref<1x128xi32, #tpu.memory_space<vmem>>
      %dma_start3A_129 = tpu.memref_squeeze %dma_start3A_128 : memref<1x128xi32, #tpu.memory_space<vmem>> -> memref<128xi32, #tpu.memory_space<vmem>>
      %dma_start3A_130 = arith.constant 0 : i32
      %dma_start3A_131 = arith.constant 0 : i32
      %dma_start3A_132 = tpu.memref_slice %arg4[%dma_start3A_130, %dma_start3A_131] : memref<1000000x16xf32, #tpu.memory_space<hbm>> -> memref<1000000x16xf32, #tpu.memory_space<hbm>>
      tpu.enqueue_indirect_dma source(%dma_start3A_132 : memref<1000000x16xf32, #tpu.memory_space<hbm>>) target(%dma_start3A_126 : memref<128x16xf32, #tpu.memory_space<vmem>>) offsets(%dma_start3A_129 : memref<128xi32, #tpu.memory_space<vmem>>) semaphore(%arg11 : memref<!tpu.dma_semaphore, #tpu.memory_space<semaphore_mem>>)
      %dma_start3A_133 = arith.constant 5 : i32
      %dma_start3A_134 = arith.constant 5 : i32
      %dma_start3A_135 = arith.constant 0 : i32
      %dma_start3A_136 = arith.constant 0 : i32
      %dma_start3A_137 = tpu.memref_slice %arg8[%dma_start3A_134, %dma_start3A_135, %dma_start3A_136] : memref<8x128x64xf32, #tpu.memory_space<vmem>> -> memref<1x128x64xf32, #tpu.memory_space<vmem>>
      %dma_start3A_138 = tpu.memref_squeeze %dma_start3A_137 : memref<1x128x64xf32, #tpu.memory_space<vmem>> -> memref<128x64xf32, #tpu.memory_space<vmem>>
      %dma_start3A_139 = arith.constant 0 : i32
      %dma_start3A_140 = tpu.memref_slice %arg7[%dma_start3A_133, %dma_start3A_139] : memref<8x128xi32, #tpu.memory_space<vmem>> -> memref<1x128xi32, #tpu.memory_space<vmem>>
      %dma_start3A_141 = tpu.memref_squeeze %dma_start3A_140 : memref<1x128xi32, #tpu.memory_space<vmem>> -> memref<128xi32, #tpu.memory_space<vmem>>
      %dma_start3A_142 = arith.constant 0 : i32
      %dma_start3A_143 = arith.constant 0 : i32
      %dma_start3A_144 = tpu.memref_slice %arg3[%dma_start3A_142, %dma_start3A_143] : memref<1000000x64xf32, #tpu.memory_space<hbm>> -> memref<1000000x64xf32, #tpu.memory_space<hbm>>
      tpu.enqueue_indirect_dma source(%dma_start3A_144 : memref<1000000x64xf32, #tpu.memory_space<hbm>>) target(%dma_start3A_138 : memref<128x64xf32, #tpu.memory_space<vmem>>) offsets(%dma_start3A_141 : memref<128xi32, #tpu.memory_space<vmem>>) semaphore(%arg10 : memref<!tpu.dma_semaphore, #tpu.memory_space<semaphore_mem>>)
      %dma_start3A_145 = arith.constant 5 : i32
      %dma_start3A_146 = arith.constant 5 : i32
      %dma_start3A_147 = arith.constant 0 : i32
      %dma_start3A_148 = arith.constant 0 : i32
      %dma_start3A_149 = tpu.memref_slice %arg9[%dma_start3A_146, %dma_start3A_147, %dma_start3A_148] : memref<8x128x16xf32, #tpu.memory_space<vmem>> -> memref<1x128x16xf32, #tpu.memory_space<vmem>>
      %dma_start3A_150 = tpu.memref_squeeze %dma_start3A_149 : memref<1x128x16xf32, #tpu.memory_space<vmem>> -> memref<128x16xf32, #tpu.memory_space<vmem>>
      %dma_start3A_151 = arith.constant 0 : i32
      %dma_start3A_152 = tpu.memref_slice %arg7[%dma_start3A_145, %dma_start3A_151] : memref<8x128xi32, #tpu.memory_space<vmem>> -> memref<1x128xi32, #tpu.memory_space<vmem>>
      %dma_start3A_153 = tpu.memref_squeeze %dma_start3A_152 : memref<1x128xi32, #tpu.memory_space<vmem>> -> memref<128xi32, #tpu.memory_space<vmem>>
      %dma_start3A_154 = arith.constant 0 : i32
      %dma_start3A_155 = arith.constant 0 : i32
      %dma_start3A_156 = tpu.memref_slice %arg4[%dma_start3A_154, %dma_start3A_155] : memref<1000000x16xf32, #tpu.memory_space<hbm>> -> memref<1000000x16xf32, #tpu.memory_space<hbm>>
      tpu.enqueue_indirect_dma source(%dma_start3A_156 : memref<1000000x16xf32, #tpu.memory_space<hbm>>) target(%dma_start3A_150 : memref<128x16xf32, #tpu.memory_space<vmem>>) offsets(%dma_start3A_153 : memref<128xi32, #tpu.memory_space<vmem>>) semaphore(%arg11 : memref<!tpu.dma_semaphore, #tpu.memory_space<semaphore_mem>>)
      %dma_start3A_157 = arith.constant 6 : i32
      %dma_start3A_158 = arith.constant 6 : i32
      %dma_start3A_159 = arith.constant 0 : i32
      %dma_start3A_160 = arith.constant 0 : i32
      %dma_start3A_161 = tpu.memref_slice %arg8[%dma_start3A_158, %dma_start3A_159, %dma_start3A_160] : memref<8x128x64xf32, #tpu.memory_space<vmem>> -> memref<1x128x64xf32, #tpu.memory_space<vmem>>
      %dma_start3A_162 = tpu.memref_squeeze %dma_start3A_161 : memref<1x128x64xf32, #tpu.memory_space<vmem>> -> memref<128x64xf32, #tpu.memory_space<vmem>>
      %dma_start3A_163 = arith.constant 0 : i32
      %dma_start3A_164 = tpu.memref_slice %arg7[%dma_start3A_157, %dma_start3A_163] : memref<8x128xi32, #tpu.memory_space<vmem>> -> memref<1x128xi32, #tpu.memory_space<vmem>>
      %dma_start3A_165 = tpu.memref_squeeze %dma_start3A_164 : memref<1x128xi32, #tpu.memory_space<vmem>> -> memref<128xi32, #tpu.memory_space<vmem>>
      %dma_start3A_166 = arith.constant 0 : i32
      %dma_start3A_167 = arith.constant 0 : i32
      %dma_start3A_168 = tpu.memref_slice %arg3[%dma_start3A_166, %dma_start3A_167] : memref<1000000x64xf32, #tpu.memory_space<hbm>> -> memref<1000000x64xf32, #tpu.memory_space<hbm>>
      tpu.enqueue_indirect_dma source(%dma_start3A_168 : memref<1000000x64xf32, #tpu.memory_space<hbm>>) target(%dma_start3A_162 : memref<128x64xf32, #tpu.memory_space<vmem>>) offsets(%dma_start3A_165 : memref<128xi32, #tpu.memory_space<vmem>>) semaphore(%arg10 : memref<!tpu.dma_semaphore, #tpu.memory_space<semaphore_mem>>)
      %dma_start3A_169 = arith.constant 6 : i32
      %dma_start3A_170 = arith.constant 6 : i32
      %dma_start3A_171 = arith.constant 0 : i32
      %dma_start3A_172 = arith.constant 0 : i32
      %dma_start3A_173 = tpu.memref_slice %arg9[%dma_start3A_170, %dma_start3A_171, %dma_start3A_172] : memref<8x128x16xf32, #tpu.memory_space<vmem>> -> memref<1x128x16xf32, #tpu.memory_space<vmem>>
      %dma_start3A_174 = tpu.memref_squeeze %dma_start3A_173 : memref<1x128x16xf32, #tpu.memory_space<vmem>> -> memref<128x16xf32, #tpu.memory_space<vmem>>
      %dma_start3A_175 = arith.constant 0 : i32
      %dma_start3A_176 = tpu.memref_slice %arg7[%dma_start3A_169, %dma_start3A_175] : memref<8x128xi32, #tpu.memory_space<vmem>> -> memref<1x128xi32, #tpu.memory_space<vmem>>
      %dma_start3A_177 = tpu.memref_squeeze %dma_start3A_176 : memref<1x128xi32, #tpu.memory_space<vmem>> -> memref<128xi32, #tpu.memory_space<vmem>>
      %dma_start3A_178 = arith.constant 0 : i32
      %dma_start3A_179 = arith.constant 0 : i32
      %dma_start3A_180 = tpu.memref_slice %arg4[%dma_start3A_178, %dma_start3A_179] : memref<1000000x16xf32, #tpu.memory_space<hbm>> -> memref<1000000x16xf32, #tpu.memory_space<hbm>>
      tpu.enqueue_indirect_dma source(%dma_start3A_180 : memref<1000000x16xf32, #tpu.memory_space<hbm>>) target(%dma_start3A_174 : memref<128x16xf32, #tpu.memory_space<vmem>>) offsets(%dma_start3A_177 : memref<128xi32, #tpu.memory_space<vmem>>) semaphore(%arg11 : memref<!tpu.dma_semaphore, #tpu.memory_space<semaphore_mem>>)
      %dma_start3A_181 = arith.constant 7 : i32
      %dma_start3A_182 = arith.constant 7 : i32
      %dma_start3A_183 = arith.constant 0 : i32
      %dma_start3A_184 = arith.constant 0 : i32
      %dma_start3A_185 = tpu.memref_slice %arg8[%dma_start3A_182, %dma_start3A_183, %dma_start3A_184] : memref<8x128x64xf32, #tpu.memory_space<vmem>> -> memref<1x128x64xf32, #tpu.memory_space<vmem>>
      %dma_start3A_186 = tpu.memref_squeeze %dma_start3A_185 : memref<1x128x64xf32, #tpu.memory_space<vmem>> -> memref<128x64xf32, #tpu.memory_space<vmem>>
      %dma_start3A_187 = arith.constant 0 : i32
      %dma_start3A_188 = tpu.memref_slice %arg7[%dma_start3A_181, %dma_start3A_187] : memref<8x128xi32, #tpu.memory_space<vmem>> -> memref<1x128xi32, #tpu.memory_space<vmem>>
      %dma_start3A_189 = tpu.memref_squeeze %dma_start3A_188 : memref<1x128xi32, #tpu.memory_space<vmem>> -> memref<128xi32, #tpu.memory_space<vmem>>
      %dma_start3A_190 = arith.constant 0 : i32
      %dma_start3A_191 = arith.constant 0 : i32
      %dma_start3A_192 = tpu.memref_slice %arg3[%dma_start3A_190, %dma_start3A_191] : memref<1000000x64xf32, #tpu.memory_space<hbm>> -> memref<1000000x64xf32, #tpu.memory_space<hbm>>
      tpu.enqueue_indirect_dma source(%dma_start3A_192 : memref<1000000x64xf32, #tpu.memory_space<hbm>>) target(%dma_start3A_186 : memref<128x64xf32, #tpu.memory_space<vmem>>) offsets(%dma_start3A_189 : memref<128xi32, #tpu.memory_space<vmem>>) semaphore(%arg10 : memref<!tpu.dma_semaphore, #tpu.memory_space<semaphore_mem>>)
      %dma_start3A_193 = arith.constant 7 : i32
      %dma_start3A_194 = arith.constant 7 : i32
      %dma_start3A_195 = arith.constant 0 : i32
      %dma_start3A_196 = arith.constant 0 : i32
      %dma_start3A_197 = tpu.memref_slice %arg9[%dma_start3A_194, %dma_start3A_195, %dma_start3A_196] : memref<8x128x16xf32, #tpu.memory_space<vmem>> -> memref<1x128x16xf32, #tpu.memory_space<vmem>>
      %dma_start3A_198 = tpu.memref_squeeze %dma_start3A_197 : memref<1x128x16xf32, #tpu.memory_space<vmem>> -> memref<128x16xf32, #tpu.memory_space<vmem>>
      %dma_start3A_199 = arith.constant 0 : i32
      %dma_start3A_200 = tpu.memref_slice %arg7[%dma_start3A_193, %dma_start3A_199] : memref<8x128xi32, #tpu.memory_space<vmem>> -> memref<1x128xi32, #tpu.memory_space<vmem>>
      %dma_start3A_201 = tpu.memref_squeeze %dma_start3A_200 : memref<1x128xi32, #tpu.memory_space<vmem>> -> memref<128xi32, #tpu.memory_space<vmem>>
      %dma_start3A_202 = arith.constant 0 : i32
      %dma_start3A_203 = arith.constant 0 : i32
      %dma_start3A_204 = tpu.memref_slice %arg4[%dma_start3A_202, %dma_start3A_203] : memref<1000000x16xf32, #tpu.memory_space<hbm>> -> memref<1000000x16xf32, #tpu.memory_space<hbm>>
      tpu.enqueue_indirect_dma source(%dma_start3A_204 : memref<1000000x16xf32, #tpu.memory_space<hbm>>) target(%dma_start3A_198 : memref<128x16xf32, #tpu.memory_space<vmem>>) offsets(%dma_start3A_201 : memref<128xi32, #tpu.memory_space<vmem>>) semaphore(%arg11 : memref<!tpu.dma_semaphore, #tpu.memory_space<semaphore_mem>>)
      %dma_wait3A = arith.constant 0 : i32
      %dma_wait3A_205 = arith.constant 0 : i32
      %dma_wait3A_206 = arith.constant 0 : i32
      %dma_wait3A_207 = arith.constant 0 : i32
      %dma_wait3A_208 = tpu.memref_slice %arg8[%dma_wait3A_205, %dma_wait3A_206, %dma_wait3A_207] : memref<8x128x64xf32, #tpu.memory_space<vmem>> -> memref<1x128x64xf32, #tpu.memory_space<vmem>>
      %dma_wait3A_209 = tpu.memref_squeeze %dma_wait3A_208 : memref<1x128x64xf32, #tpu.memory_space<vmem>> -> memref<128x64xf32, #tpu.memory_space<vmem>>
      %dma_wait3A_210 = arith.constant 0 : i32
      %dma_wait3A_211 = tpu.memref_slice %arg7[%dma_wait3A, %dma_wait3A_210] : memref<8x128xi32, #tpu.memory_space<vmem>> -> memref<1x128xi32, #tpu.memory_space<vmem>>
      %dma_wait3A_212 = tpu.memref_squeeze %dma_wait3A_211 : memref<1x128xi32, #tpu.memory_space<vmem>> -> memref<128xi32, #tpu.memory_space<vmem>>
      %dma_wait3A_213 = arith.constant 0 : i32
      %dma_wait3A_214 = arith.constant 0 : i32
      %dma_wait3A_215 = tpu.memref_slice %arg3[%dma_wait3A_213, %dma_wait3A_214] : memref<1000000x64xf32, #tpu.memory_space<hbm>> -> memref<1000000x64xf32, #tpu.memory_space<hbm>>
      tpu.wait_indirect_dma semaphore(%arg10 : memref<!tpu.dma_semaphore, #tpu.memory_space<semaphore_mem>>) src(%dma_wait3A_215 : memref<1000000x64xf32, #tpu.memory_space<hbm>>) dst(%dma_wait3A_209 : memref<128x64xf32, #tpu.memory_space<vmem>>)
      %dma_wait3A_216 = arith.constant 0 : i32
      %dma_wait3A_217 = arith.constant 0 : i32
      %dma_wait3A_218 = arith.constant 0 : i32
      %dma_wait3A_219 = arith.constant 0 : i32
      %dma_wait3A_220 = tpu.memref_slice %arg9[%dma_wait3A_217, %dma_wait3A_218, %dma_wait3A_219] : memref<8x128x16xf32, #tpu.memory_space<vmem>> -> memref<1x128x16xf32, #tpu.memory_space<vmem>>
      %dma_wait3A_221 = tpu.memref_squeeze %dma_wait3A_220 : memref<1x128x16xf32, #tpu.memory_space<vmem>> -> memref<128x16xf32, #tpu.memory_space<vmem>>
      %dma_wait3A_222 = arith.constant 0 : i32
      %dma_wait3A_223 = tpu.memref_slice %arg7[%dma_wait3A_216, %dma_wait3A_222] : memref<8x128xi32, #tpu.memory_space<vmem>> -> memref<1x128xi32, #tpu.memory_space<vmem>>
      %dma_wait3A_224 = tpu.memref_squeeze %dma_wait3A_223 : memref<1x128xi32, #tpu.memory_space<vmem>> -> memref<128xi32, #tpu.memory_space<vmem>>
      %dma_wait3A_225 = arith.constant 0 : i32
      %dma_wait3A_226 = arith.constant 0 : i32
      %dma_wait3A_227 = tpu.memref_slice %arg4[%dma_wait3A_225, %dma_wait3A_226] : memref<1000000x16xf32, #tpu.memory_space<hbm>> -> memref<1000000x16xf32, #tpu.memory_space<hbm>>
      tpu.wait_indirect_dma semaphore(%arg11 : memref<!tpu.dma_semaphore, #tpu.memory_space<semaphore_mem>>) src(%dma_wait3A_227 : memref<1000000x16xf32, #tpu.memory_space<hbm>>) dst(%dma_wait3A_221 : memref<128x16xf32, #tpu.memory_space<vmem>>)
      %dma_wait3A_228 = arith.constant 1 : i32
      %dma_wait3A_229 = arith.constant 1 : i32
      %dma_wait3A_230 = arith.constant 0 : i32
      %dma_wait3A_231 = arith.constant 0 : i32
      %dma_wait3A_232 = tpu.memref_slice %arg8[%dma_wait3A_229, %dma_wait3A_230, %dma_wait3A_231] : memref<8x128x64xf32, #tpu.memory_space<vmem>> -> memref<1x128x64xf32, #tpu.memory_space<vmem>>
      %dma_wait3A_233 = tpu.memref_squeeze %dma_wait3A_232 : memref<1x128x64xf32, #tpu.memory_space<vmem>> -> memref<128x64xf32, #tpu.memory_space<vmem>>
      %dma_wait3A_234 = arith.constant 0 : i32
      %dma_wait3A_235 = tpu.memref_slice %arg7[%dma_wait3A_228, %dma_wait3A_234] : memref<8x128xi32, #tpu.memory_space<vmem>> -> memref<1x128xi32, #tpu.memory_space<vmem>>
      %dma_wait3A_236 = tpu.memref_squeeze %dma_wait3A_235 : memref<1x128xi32, #tpu.memory_space<vmem>> -> memref<128xi32, #tpu.memory_space<vmem>>
      %dma_wait3A_237 = arith.constant 0 : i32
      %dma_wait3A_238 = arith.constant 0 : i32
      %dma_wait3A_239 = tpu.memref_slice %arg3[%dma_wait3A_237, %dma_wait3A_238] : memref<1000000x64xf32, #tpu.memory_space<hbm>> -> memref<1000000x64xf32, #tpu.memory_space<hbm>>
      tpu.wait_indirect_dma semaphore(%arg10 : memref<!tpu.dma_semaphore, #tpu.memory_space<semaphore_mem>>) src(%dma_wait3A_239 : memref<1000000x64xf32, #tpu.memory_space<hbm>>) dst(%dma_wait3A_233 : memref<128x64xf32, #tpu.memory_space<vmem>>)
      %dma_wait3A_240 = arith.constant 1 : i32
      %dma_wait3A_241 = arith.constant 1 : i32
      %dma_wait3A_242 = arith.constant 0 : i32
      %dma_wait3A_243 = arith.constant 0 : i32
      %dma_wait3A_244 = tpu.memref_slice %arg9[%dma_wait3A_241, %dma_wait3A_242, %dma_wait3A_243] : memref<8x128x16xf32, #tpu.memory_space<vmem>> -> memref<1x128x16xf32, #tpu.memory_space<vmem>>
      %dma_wait3A_245 = tpu.memref_squeeze %dma_wait3A_244 : memref<1x128x16xf32, #tpu.memory_space<vmem>> -> memref<128x16xf32, #tpu.memory_space<vmem>>
      %dma_wait3A_246 = arith.constant 0 : i32
      %dma_wait3A_247 = tpu.memref_slice %arg7[%dma_wait3A_240, %dma_wait3A_246] : memref<8x128xi32, #tpu.memory_space<vmem>> -> memref<1x128xi32, #tpu.memory_space<vmem>>
      %dma_wait3A_248 = tpu.memref_squeeze %dma_wait3A_247 : memref<1x128xi32, #tpu.memory_space<vmem>> -> memref<128xi32, #tpu.memory_space<vmem>>
      %dma_wait3A_249 = arith.constant 0 : i32
      %dma_wait3A_250 = arith.constant 0 : i32
      %dma_wait3A_251 = tpu.memref_slice %arg4[%dma_wait3A_249, %dma_wait3A_250] : memref<1000000x16xf32, #tpu.memory_space<hbm>> -> memref<1000000x16xf32, #tpu.memory_space<hbm>>
      tpu.wait_indirect_dma semaphore(%arg11 : memref<!tpu.dma_semaphore, #tpu.memory_space<semaphore_mem>>) src(%dma_wait3A_251 : memref<1000000x16xf32, #tpu.memory_space<hbm>>) dst(%dma_wait3A_245 : memref<128x16xf32, #tpu.memory_space<vmem>>)
      %dma_wait3A_252 = arith.constant 2 : i32
      %dma_wait3A_253 = arith.constant 2 : i32
      %dma_wait3A_254 = arith.constant 0 : i32
      %dma_wait3A_255 = arith.constant 0 : i32
      %dma_wait3A_256 = tpu.memref_slice %arg8[%dma_wait3A_253, %dma_wait3A_254, %dma_wait3A_255] : memref<8x128x64xf32, #tpu.memory_space<vmem>> -> memref<1x128x64xf32, #tpu.memory_space<vmem>>
      %dma_wait3A_257 = tpu.memref_squeeze %dma_wait3A_256 : memref<1x128x64xf32, #tpu.memory_space<vmem>> -> memref<128x64xf32, #tpu.memory_space<vmem>>
      %dma_wait3A_258 = arith.constant 0 : i32
      %dma_wait3A_259 = tpu.memref_slice %arg7[%dma_wait3A_252, %dma_wait3A_258] : memref<8x128xi32, #tpu.memory_space<vmem>> -> memref<1x128xi32, #tpu.memory_space<vmem>>
      %dma_wait3A_260 = tpu.memref_squeeze %dma_wait3A_259 : memref<1x128xi32, #tpu.memory_space<vmem>> -> memref<128xi32, #tpu.memory_space<vmem>>
      %dma_wait3A_261 = arith.constant 0 : i32
      %dma_wait3A_262 = arith.constant 0 : i32
      %dma_wait3A_263 = tpu.memref_slice %arg3[%dma_wait3A_261, %dma_wait3A_262] : memref<1000000x64xf32, #tpu.memory_space<hbm>> -> memref<1000000x64xf32, #tpu.memory_space<hbm>>
      tpu.wait_indirect_dma semaphore(%arg10 : memref<!tpu.dma_semaphore, #tpu.memory_space<semaphore_mem>>) src(%dma_wait3A_263 : memref<1000000x64xf32, #tpu.memory_space<hbm>>) dst(%dma_wait3A_257 : memref<128x64xf32, #tpu.memory_space<vmem>>)
      %dma_wait3A_264 = arith.constant 2 : i32
      %dma_wait3A_265 = arith.constant 2 : i32
      %dma_wait3A_266 = arith.constant 0 : i32
      %dma_wait3A_267 = arith.constant 0 : i32
      %dma_wait3A_268 = tpu.memref_slice %arg9[%dma_wait3A_265, %dma_wait3A_266, %dma_wait3A_267] : memref<8x128x16xf32, #tpu.memory_space<vmem>> -> memref<1x128x16xf32, #tpu.memory_space<vmem>>
      %dma_wait3A_269 = tpu.memref_squeeze %dma_wait3A_268 : memref<1x128x16xf32, #tpu.memory_space<vmem>> -> memref<128x16xf32, #tpu.memory_space<vmem>>
      %dma_wait3A_270 = arith.constant 0 : i32
      %dma_wait3A_271 = tpu.memref_slice %arg7[%dma_wait3A_264, %dma_wait3A_270] : memref<8x128xi32, #tpu.memory_space<vmem>> -> memref<1x128xi32, #tpu.memory_space<vmem>>
      %dma_wait3A_272 = tpu.memref_squeeze %dma_wait3A_271 : memref<1x128xi32, #tpu.memory_space<vmem>> -> memref<128xi32, #tpu.memory_space<vmem>>
      %dma_wait3A_273 = arith.constant 0 : i32
      %dma_wait3A_274 = arith.constant 0 : i32
      %dma_wait3A_275 = tpu.memref_slice %arg4[%dma_wait3A_273, %dma_wait3A_274] : memref<1000000x16xf32, #tpu.memory_space<hbm>> -> memref<1000000x16xf32, #tpu.memory_space<hbm>>
      tpu.wait_indirect_dma semaphore(%arg11 : memref<!tpu.dma_semaphore, #tpu.memory_space<semaphore_mem>>) src(%dma_wait3A_275 : memref<1000000x16xf32, #tpu.memory_space<hbm>>) dst(%dma_wait3A_269 : memref<128x16xf32, #tpu.memory_space<vmem>>)
      %dma_wait3A_276 = arith.constant 3 : i32
      %dma_wait3A_277 = arith.constant 3 : i32
      %dma_wait3A_278 = arith.constant 0 : i32
      %dma_wait3A_279 = arith.constant 0 : i32
      %dma_wait3A_280 = tpu.memref_slice %arg8[%dma_wait3A_277, %dma_wait3A_278, %dma_wait3A_279] : memref<8x128x64xf32, #tpu.memory_space<vmem>> -> memref<1x128x64xf32, #tpu.memory_space<vmem>>
      %dma_wait3A_281 = tpu.memref_squeeze %dma_wait3A_280 : memref<1x128x64xf32, #tpu.memory_space<vmem>> -> memref<128x64xf32, #tpu.memory_space<vmem>>
      %dma_wait3A_282 = arith.constant 0 : i32
      %dma_wait3A_283 = tpu.memref_slice %arg7[%dma_wait3A_276, %dma_wait3A_282] : memref<8x128xi32, #tpu.memory_space<vmem>> -> memref<1x128xi32, #tpu.memory_space<vmem>>
      %dma_wait3A_284 = tpu.memref_squeeze %dma_wait3A_283 : memref<1x128xi32, #tpu.memory_space<vmem>> -> memref<128xi32, #tpu.memory_space<vmem>>
      %dma_wait3A_285 = arith.constant 0 : i32
      %dma_wait3A_286 = arith.constant 0 : i32
      %dma_wait3A_287 = tpu.memref_slice %arg3[%dma_wait3A_285, %dma_wait3A_286] : memref<1000000x64xf32, #tpu.memory_space<hbm>> -> memref<1000000x64xf32, #tpu.memory_space<hbm>>
      tpu.wait_indirect_dma semaphore(%arg10 : memref<!tpu.dma_semaphore, #tpu.memory_space<semaphore_mem>>) src(%dma_wait3A_287 : memref<1000000x64xf32, #tpu.memory_space<hbm>>) dst(%dma_wait3A_281 : memref<128x64xf32, #tpu.memory_space<vmem>>)
      %dma_wait3A_288 = arith.constant 3 : i32
      %dma_wait3A_289 = arith.constant 3 : i32
      %dma_wait3A_290 = arith.constant 0 : i32
      %dma_wait3A_291 = arith.constant 0 : i32
      %dma_wait3A_292 = tpu.memref_slice %arg9[%dma_wait3A_289, %dma_wait3A_290, %dma_wait3A_291] : memref<8x128x16xf32, #tpu.memory_space<vmem>> -> memref<1x128x16xf32, #tpu.memory_space<vmem>>
      %dma_wait3A_293 = tpu.memref_squeeze %dma_wait3A_292 : memref<1x128x16xf32, #tpu.memory_space<vmem>> -> memref<128x16xf32, #tpu.memory_space<vmem>>
      %dma_wait3A_294 = arith.constant 0 : i32
      %dma_wait3A_295 = tpu.memref_slice %arg7[%dma_wait3A_288, %dma_wait3A_294] : memref<8x128xi32, #tpu.memory_space<vmem>> -> memref<1x128xi32, #tpu.memory_space<vmem>>
      %dma_wait3A_296 = tpu.memref_squeeze %dma_wait3A_295 : memref<1x128xi32, #tpu.memory_space<vmem>> -> memref<128xi32, #tpu.memory_space<vmem>>
      %dma_wait3A_297 = arith.constant 0 : i32
      %dma_wait3A_298 = arith.constant 0 : i32
      %dma_wait3A_299 = tpu.memref_slice %arg4[%dma_wait3A_297, %dma_wait3A_298] : memref<1000000x16xf32, #tpu.memory_space<hbm>> -> memref<1000000x16xf32, #tpu.memory_space<hbm>>
      tpu.wait_indirect_dma semaphore(%arg11 : memref<!tpu.dma_semaphore, #tpu.memory_space<semaphore_mem>>) src(%dma_wait3A_299 : memref<1000000x16xf32, #tpu.memory_space<hbm>>) dst(%dma_wait3A_293 : memref<128x16xf32, #tpu.memory_space<vmem>>)
      %dma_wait3A_300 = arith.constant 4 : i32
      %dma_wait3A_301 = arith.constant 4 : i32
      %dma_wait3A_302 = arith.constant 0 : i32
      %dma_wait3A_303 = arith.constant 0 : i32
      %dma_wait3A_304 = tpu.memref_slice %arg8[%dma_wait3A_301, %dma_wait3A_302, %dma_wait3A_303] : memref<8x128x64xf32, #tpu.memory_space<vmem>> -> memref<1x128x64xf32, #tpu.memory_space<vmem>>
      %dma_wait3A_305 = tpu.memref_squeeze %dma_wait3A_304 : memref<1x128x64xf32, #tpu.memory_space<vmem>> -> memref<128x64xf32, #tpu.memory_space<vmem>>
      %dma_wait3A_306 = arith.constant 0 : i32
      %dma_wait3A_307 = tpu.memref_slice %arg7[%dma_wait3A_300, %dma_wait3A_306] : memref<8x128xi32, #tpu.memory_space<vmem>> -> memref<1x128xi32, #tpu.memory_space<vmem>>
      %dma_wait3A_308 = tpu.memref_squeeze %dma_wait3A_307 : memref<1x128xi32, #tpu.memory_space<vmem>> -> memref<128xi32, #tpu.memory_space<vmem>>
      %dma_wait3A_309 = arith.constant 0 : i32
      %dma_wait3A_310 = arith.constant 0 : i32
      %dma_wait3A_311 = tpu.memref_slice %arg3[%dma_wait3A_309, %dma_wait3A_310] : memref<1000000x64xf32, #tpu.memory_space<hbm>> -> memref<1000000x64xf32, #tpu.memory_space<hbm>>
      tpu.wait_indirect_dma semaphore(%arg10 : memref<!tpu.dma_semaphore, #tpu.memory_space<semaphore_mem>>) src(%dma_wait3A_311 : memref<1000000x64xf32, #tpu.memory_space<hbm>>) dst(%dma_wait3A_305 : memref<128x64xf32, #tpu.memory_space<vmem>>)
      %dma_wait3A_312 = arith.constant 4 : i32
      %dma_wait3A_313 = arith.constant 4 : i32
      %dma_wait3A_314 = arith.constant 0 : i32
      %dma_wait3A_315 = arith.constant 0 : i32
      %dma_wait3A_316 = tpu.memref_slice %arg9[%dma_wait3A_313, %dma_wait3A_314, %dma_wait3A_315] : memref<8x128x16xf32, #tpu.memory_space<vmem>> -> memref<1x128x16xf32, #tpu.memory_space<vmem>>
      %dma_wait3A_317 = tpu.memref_squeeze %dma_wait3A_316 : memref<1x128x16xf32, #tpu.memory_space<vmem>> -> memref<128x16xf32, #tpu.memory_space<vmem>>
      %dma_wait3A_318 = arith.constant 0 : i32
      %dma_wait3A_319 = tpu.memref_slice %arg7[%dma_wait3A_312, %dma_wait3A_318] : memref<8x128xi32, #tpu.memory_space<vmem>> -> memref<1x128xi32, #tpu.memory_space<vmem>>
      %dma_wait3A_320 = tpu.memref_squeeze %dma_wait3A_319 : memref<1x128xi32, #tpu.memory_space<vmem>> -> memref<128xi32, #tpu.memory_space<vmem>>
      %dma_wait3A_321 = arith.constant 0 : i32
      %dma_wait3A_322 = arith.constant 0 : i32
      %dma_wait3A_323 = tpu.memref_slice %arg4[%dma_wait3A_321, %dma_wait3A_322] : memref<1000000x16xf32, #tpu.memory_space<hbm>> -> memref<1000000x16xf32, #tpu.memory_space<hbm>>
      tpu.wait_indirect_dma semaphore(%arg11 : memref<!tpu.dma_semaphore, #tpu.memory_space<semaphore_mem>>) src(%dma_wait3A_323 : memref<1000000x16xf32, #tpu.memory_space<hbm>>) dst(%dma_wait3A_317 : memref<128x16xf32, #tpu.memory_space<vmem>>)
      %dma_wait3A_324 = arith.constant 5 : i32
      %dma_wait3A_325 = arith.constant 5 : i32
      %dma_wait3A_326 = arith.constant 0 : i32
      %dma_wait3A_327 = arith.constant 0 : i32
      %dma_wait3A_328 = tpu.memref_slice %arg8[%dma_wait3A_325, %dma_wait3A_326, %dma_wait3A_327] : memref<8x128x64xf32, #tpu.memory_space<vmem>> -> memref<1x128x64xf32, #tpu.memory_space<vmem>>
      %dma_wait3A_329 = tpu.memref_squeeze %dma_wait3A_328 : memref<1x128x64xf32, #tpu.memory_space<vmem>> -> memref<128x64xf32, #tpu.memory_space<vmem>>
      %dma_wait3A_330 = arith.constant 0 : i32
      %dma_wait3A_331 = tpu.memref_slice %arg7[%dma_wait3A_324, %dma_wait3A_330] : memref<8x128xi32, #tpu.memory_space<vmem>> -> memref<1x128xi32, #tpu.memory_space<vmem>>
      %dma_wait3A_332 = tpu.memref_squeeze %dma_wait3A_331 : memref<1x128xi32, #tpu.memory_space<vmem>> -> memref<128xi32, #tpu.memory_space<vmem>>
      %dma_wait3A_333 = arith.constant 0 : i32
      %dma_wait3A_334 = arith.constant 0 : i32
      %dma_wait3A_335 = tpu.memref_slice %arg3[%dma_wait3A_333, %dma_wait3A_334] : memref<1000000x64xf32, #tpu.memory_space<hbm>> -> memref<1000000x64xf32, #tpu.memory_space<hbm>>
      tpu.wait_indirect_dma semaphore(%arg10 : memref<!tpu.dma_semaphore, #tpu.memory_space<semaphore_mem>>) src(%dma_wait3A_335 : memref<1000000x64xf32, #tpu.memory_space<hbm>>) dst(%dma_wait3A_329 : memref<128x64xf32, #tpu.memory_space<vmem>>)
      %dma_wait3A_336 = arith.constant 5 : i32
      %dma_wait3A_337 = arith.constant 5 : i32
      %dma_wait3A_338 = arith.constant 0 : i32
      %dma_wait3A_339 = arith.constant 0 : i32
      %dma_wait3A_340 = tpu.memref_slice %arg9[%dma_wait3A_337, %dma_wait3A_338, %dma_wait3A_339] : memref<8x128x16xf32, #tpu.memory_space<vmem>> -> memref<1x128x16xf32, #tpu.memory_space<vmem>>
      %dma_wait3A_341 = tpu.memref_squeeze %dma_wait3A_340 : memref<1x128x16xf32, #tpu.memory_space<vmem>> -> memref<128x16xf32, #tpu.memory_space<vmem>>
      %dma_wait3A_342 = arith.constant 0 : i32
      %dma_wait3A_343 = tpu.memref_slice %arg7[%dma_wait3A_336, %dma_wait3A_342] : memref<8x128xi32, #tpu.memory_space<vmem>> -> memref<1x128xi32, #tpu.memory_space<vmem>>
      %dma_wait3A_344 = tpu.memref_squeeze %dma_wait3A_343 : memref<1x128xi32, #tpu.memory_space<vmem>> -> memref<128xi32, #tpu.memory_space<vmem>>
      %dma_wait3A_345 = arith.constant 0 : i32
      %dma_wait3A_346 = arith.constant 0 : i32
      %dma_wait3A_347 = tpu.memref_slice %arg4[%dma_wait3A_345, %dma_wait3A_346] : memref<1000000x16xf32, #tpu.memory_space<hbm>> -> memref<1000000x16xf32, #tpu.memory_space<hbm>>
      tpu.wait_indirect_dma semaphore(%arg11 : memref<!tpu.dma_semaphore, #tpu.memory_space<semaphore_mem>>) src(%dma_wait3A_347 : memref<1000000x16xf32, #tpu.memory_space<hbm>>) dst(%dma_wait3A_341 : memref<128x16xf32, #tpu.memory_space<vmem>>)
      %dma_wait3A_348 = arith.constant 6 : i32
      %dma_wait3A_349 = arith.constant 6 : i32
      %dma_wait3A_350 = arith.constant 0 : i32
      %dma_wait3A_351 = arith.constant 0 : i32
      %dma_wait3A_352 = tpu.memref_slice %arg8[%dma_wait3A_349, %dma_wait3A_350, %dma_wait3A_351] : memref<8x128x64xf32, #tpu.memory_space<vmem>> -> memref<1x128x64xf32, #tpu.memory_space<vmem>>
      %dma_wait3A_353 = tpu.memref_squeeze %dma_wait3A_352 : memref<1x128x64xf32, #tpu.memory_space<vmem>> -> memref<128x64xf32, #tpu.memory_space<vmem>>
      %dma_wait3A_354 = arith.constant 0 : i32
      %dma_wait3A_355 = tpu.memref_slice %arg7[%dma_wait3A_348, %dma_wait3A_354] : memref<8x128xi32, #tpu.memory_space<vmem>> -> memref<1x128xi32, #tpu.memory_space<vmem>>
      %dma_wait3A_356 = tpu.memref_squeeze %dma_wait3A_355 : memref<1x128xi32, #tpu.memory_space<vmem>> -> memref<128xi32, #tpu.memory_space<vmem>>
      %dma_wait3A_357 = arith.constant 0 : i32
      %dma_wait3A_358 = arith.constant 0 : i32
      %dma_wait3A_359 = tpu.memref_slice %arg3[%dma_wait3A_357, %dma_wait3A_358] : memref<1000000x64xf32, #tpu.memory_space<hbm>> -> memref<1000000x64xf32, #tpu.memory_space<hbm>>
      tpu.wait_indirect_dma semaphore(%arg10 : memref<!tpu.dma_semaphore, #tpu.memory_space<semaphore_mem>>) src(%dma_wait3A_359 : memref<1000000x64xf32, #tpu.memory_space<hbm>>) dst(%dma_wait3A_353 : memref<128x64xf32, #tpu.memory_space<vmem>>)
      %dma_wait3A_360 = arith.constant 6 : i32
      %dma_wait3A_361 = arith.constant 6 : i32
      %dma_wait3A_362 = arith.constant 0 : i32
      %dma_wait3A_363 = arith.constant 0 : i32
      %dma_wait3A_364 = tpu.memref_slice %arg9[%dma_wait3A_361, %dma_wait3A_362, %dma_wait3A_363] : memref<8x128x16xf32, #tpu.memory_space<vmem>> -> memref<1x128x16xf32, #tpu.memory_space<vmem>>
      %dma_wait3A_365 = tpu.memref_squeeze %dma_wait3A_364 : memref<1x128x16xf32, #tpu.memory_space<vmem>> -> memref<128x16xf32, #tpu.memory_space<vmem>>
      %dma_wait3A_366 = arith.constant 0 : i32
      %dma_wait3A_367 = tpu.memref_slice %arg7[%dma_wait3A_360, %dma_wait3A_366] : memref<8x128xi32, #tpu.memory_space<vmem>> -> memref<1x128xi32, #tpu.memory_space<vmem>>
      %dma_wait3A_368 = tpu.memref_squeeze %dma_wait3A_367 : memref<1x128xi32, #tpu.memory_space<vmem>> -> memref<128xi32, #tpu.memory_space<vmem>>
      %dma_wait3A_369 = arith.constant 0 : i32
      %dma_wait3A_370 = arith.constant 0 : i32
      %dma_wait3A_371 = tpu.memref_slice %arg4[%dma_wait3A_369, %dma_wait3A_370] : memref<1000000x16xf32, #tpu.memory_space<hbm>> -> memref<1000000x16xf32, #tpu.memory_space<hbm>>
      tpu.wait_indirect_dma semaphore(%arg11 : memref<!tpu.dma_semaphore, #tpu.memory_space<semaphore_mem>>) src(%dma_wait3A_371 : memref<1000000x16xf32, #tpu.memory_space<hbm>>) dst(%dma_wait3A_365 : memref<128x16xf32, #tpu.memory_space<vmem>>)
      %dma_wait3A_372 = arith.constant 7 : i32
      %dma_wait3A_373 = arith.constant 7 : i32
      %dma_wait3A_374 = arith.constant 0 : i32
      %dma_wait3A_375 = arith.constant 0 : i32
      %dma_wait3A_376 = tpu.memref_slice %arg8[%dma_wait3A_373, %dma_wait3A_374, %dma_wait3A_375] : memref<8x128x64xf32, #tpu.memory_space<vmem>> -> memref<1x128x64xf32, #tpu.memory_space<vmem>>
      %dma_wait3A_377 = tpu.memref_squeeze %dma_wait3A_376 : memref<1x128x64xf32, #tpu.memory_space<vmem>> -> memref<128x64xf32, #tpu.memory_space<vmem>>
      %dma_wait3A_378 = arith.constant 0 : i32
      %dma_wait3A_379 = tpu.memref_slice %arg7[%dma_wait3A_372, %dma_wait3A_378] : memref<8x128xi32, #tpu.memory_space<vmem>> -> memref<1x128xi32, #tpu.memory_space<vmem>>
      %dma_wait3A_380 = tpu.memref_squeeze %dma_wait3A_379 : memref<1x128xi32, #tpu.memory_space<vmem>> -> memref<128xi32, #tpu.memory_space<vmem>>
      %dma_wait3A_381 = arith.constant 0 : i32
      %dma_wait3A_382 = arith.constant 0 : i32
      %dma_wait3A_383 = tpu.memref_slice %arg3[%dma_wait3A_381, %dma_wait3A_382] : memref<1000000x64xf32, #tpu.memory_space<hbm>> -> memref<1000000x64xf32, #tpu.memory_space<hbm>>
      tpu.wait_indirect_dma semaphore(%arg10 : memref<!tpu.dma_semaphore, #tpu.memory_space<semaphore_mem>>) src(%dma_wait3A_383 : memref<1000000x64xf32, #tpu.memory_space<hbm>>) dst(%dma_wait3A_377 : memref<128x64xf32, #tpu.memory_space<vmem>>)
      %dma_wait3A_384 = arith.constant 7 : i32
      %dma_wait3A_385 = arith.constant 7 : i32
      %dma_wait3A_386 = arith.constant 0 : i32
      %dma_wait3A_387 = arith.constant 0 : i32
      %dma_wait3A_388 = tpu.memref_slice %arg9[%dma_wait3A_385, %dma_wait3A_386, %dma_wait3A_387] : memref<8x128x16xf32, #tpu.memory_space<vmem>> -> memref<1x128x16xf32, #tpu.memory_space<vmem>>
      %dma_wait3A_389 = tpu.memref_squeeze %dma_wait3A_388 : memref<1x128x16xf32, #tpu.memory_space<vmem>> -> memref<128x16xf32, #tpu.memory_space<vmem>>
      %dma_wait3A_390 = arith.constant 0 : i32
      %dma_wait3A_391 = tpu.memref_slice %arg7[%dma_wait3A_384, %dma_wait3A_390] : memref<8x128xi32, #tpu.memory_space<vmem>> -> memref<1x128xi32, #tpu.memory_space<vmem>>
      %dma_wait3A_392 = tpu.memref_squeeze %dma_wait3A_391 : memref<1x128xi32, #tpu.memory_space<vmem>> -> memref<128xi32, #tpu.memory_space<vmem>>
      %dma_wait3A_393 = arith.constant 0 : i32
      %dma_wait3A_394 = arith.constant 0 : i32
      %dma_wait3A_395 = tpu.memref_slice %arg4[%dma_wait3A_393, %dma_wait3A_394] : memref<1000000x16xf32, #tpu.memory_space<hbm>> -> memref<1000000x16xf32, #tpu.memory_space<hbm>>
      tpu.wait_indirect_dma semaphore(%arg11 : memref<!tpu.dma_semaphore, #tpu.memory_space<semaphore_mem>>) src(%dma_wait3A_395 : memref<1000000x16xf32, #tpu.memory_space<hbm>>) dst(%dma_wait3A_389 : memref<128x16xf32, #tpu.memory_space<vmem>>)
      "tpu.region"() ({
        %run_scoped3A = tpu.sem_alloc : memref<!tpu.dma_semaphore, #tpu.memory_space<semaphore_mem>>
        %dma_start3A_397 = arith.constant 0 : i32
        %dma_start3A_398 = arith.constant 0 : i32
        %dma_start3A_399 = tpu.memref_slice %arg5[%add3A_13, %dma_start3A_397, %dma_start3A_398] : memref<6400x128x64xf32, #tpu.memory_space<hbm>> -> memref<8x128x64xf32, #tpu.memory_space<hbm>>
        %dma_start3A_400 = arith.constant 0 : i32
        %dma_start3A_401 = arith.constant 0 : i32
        %dma_start3A_402 = tpu.memref_slice %arg5[%add3A_13, %dma_start3A_400, %dma_start3A_401] : memref<6400x128x64xf32, #tpu.memory_space<hbm>> -> memref<8x128x64xf32, #tpu.memory_space<hbm>>
        tpu.enqueue_dma source(%arg8 : memref<8x128x64xf32, #tpu.memory_space<vmem>>) target(%dma_start3A_402 : memref<8x128x64xf32, #tpu.memory_space<hbm>>) target_semaphore(%run_scoped3A : memref<!tpu.dma_semaphore, #tpu.memory_space<semaphore_mem>>)
        %dma_wait3A_403 = arith.constant 0 : i32
        %dma_wait3A_404 = arith.constant 0 : i32
        %dma_wait3A_405 = tpu.memref_slice %arg5[%add3A_13, %dma_wait3A_403, %dma_wait3A_404] : memref<6400x128x64xf32, #tpu.memory_space<hbm>> -> memref<8x128x64xf32, #tpu.memory_space<hbm>>
        %dma_wait3A_406 = arith.constant 0 : i32
        %dma_wait3A_407 = arith.constant 0 : i32
        %dma_wait3A_408 = tpu.memref_slice %arg5[%add3A_13, %dma_wait3A_406, %dma_wait3A_407] : memref<6400x128x64xf32, #tpu.memory_space<hbm>> -> memref<8x128x64xf32, #tpu.memory_space<hbm>>
        tpu.wait_dma2 semaphore(%run_scoped3A : memref<!tpu.dma_semaphore, #tpu.memory_space<semaphore_mem>>) src(%arg8 : memref<8x128x64xf32, #tpu.memory_space<vmem>>) dst(%dma_wait3A_408 : memref<8x128x64xf32, #tpu.memory_space<hbm>>)
        tpu.yield
      }) : () -> ()
      "tpu.region"() ({
        %run_scoped3A = tpu.sem_alloc : memref<!tpu.dma_semaphore, #tpu.memory_space<semaphore_mem>>
        %dma_start3A_397 = arith.constant 0 : i32
        %dma_start3A_398 = arith.constant 0 : i32
        %dma_start3A_399 = tpu.memref_slice %arg6[%add3A_13, %dma_start3A_397, %dma_start3A_398] : memref<6400x128x16xf32, #tpu.memory_space<hbm>> -> memref<8x128x16xf32, #tpu.memory_space<hbm>>
        %dma_start3A_400 = arith.constant 0 : i32
        %dma_start3A_401 = arith.constant 0 : i32
        %dma_start3A_402 = tpu.memref_slice %arg6[%add3A_13, %dma_start3A_400, %dma_start3A_401] : memref<6400x128x16xf32, #tpu.memory_space<hbm>> -> memref<8x128x16xf32, #tpu.memory_space<hbm>>
        tpu.enqueue_dma source(%arg9 : memref<8x128x16xf32, #tpu.memory_space<vmem>>) target(%dma_start3A_402 : memref<8x128x16xf32, #tpu.memory_space<hbm>>) target_semaphore(%run_scoped3A : memref<!tpu.dma_semaphore, #tpu.memory_space<semaphore_mem>>)
        %dma_wait3A_403 = arith.constant 0 : i32
        %dma_wait3A_404 = arith.constant 0 : i32
        %dma_wait3A_405 = tpu.memref_slice %arg6[%add3A_13, %dma_wait3A_403, %dma_wait3A_404] : memref<6400x128x16xf32, #tpu.memory_space<hbm>> -> memref<8x128x16xf32, #tpu.memory_space<hbm>>
        %dma_wait3A_406 = arith.constant 0 : i32
        %dma_wait3A_407 = arith.constant 0 : i32
        %dma_wait3A_408 = tpu.memref_slice %arg6[%add3A_13, %dma_wait3A_406, %dma_wait3A_407] : memref<6400x128x16xf32, #tpu.memory_space<hbm>> -> memref<8x128x16xf32, #tpu.memory_space<hbm>>
        tpu.wait_dma2 semaphore(%run_scoped3A : memref<!tpu.dma_semaphore, #tpu.memory_space<semaphore_mem>>) src(%arg9 : memref<8x128x16xf32, #tpu.memory_space<vmem>>) dst(%dma_wait3A_408 : memref<8x128x16xf32, #tpu.memory_space<hbm>>)
        tpu.yield
      }) : () -> ()
      %scan3A_396 = arith.constant 0 : i32
      scf.yield %scan3A_396 : i32
    }
    %scan3A_8 = arith.constant 25 : i32
    return
  }
}

module attributes {stable_mosaic.version = 14 : i64} {
  func.func @_tc_combine_body(%arg0: i32, %arg1: memref<4096x64xf32, #tpu.memory_space<vmem>>, %arg2: memref<4096x16xf32, #tpu.memory_space<vmem>>, %arg3: memref<64x16xf32, #tpu.memory_space<vmem>>, %arg4: memref<4096x64xf32, #tpu.memory_space<vmem>>) attributes {dimension_semantics = [#tpu.dimension_semantics<arbitrary>], iteration_bounds = array<i64: 200>, scalar_prefetch = 0 : i64, scratch_operands = 0 : i64, tpu.core_type = #tpu.core_type<tc>, window_params = [{transform_indices = @transform_0, window_bounds = array<i64: 4096, 64>}, {transform_indices = @transform_1, window_bounds = array<i64: 4096, 16>}, {pipeline_mode = #tpu.pipeline_mode<synchronous>, transform_indices = @transform_2, window_bounds = array<i64: 64, 16>}, {transform_indices = @transform_3, window_bounds = array<i64: 4096, 64>}]} {
    %get3A = arith.constant 0 : index
    %get3A_0 = arith.constant 0 : index
    %get3A_1 = vector.load %arg2[%get3A, %get3A_0] : memref<4096x16xf32, #tpu.memory_space<vmem>>, vector<4096x16xf32>
    %get3A_2 = arith.constant 0 : index
    %get3A_3 = arith.constant 0 : index
    %get3A_4 = vector.load %arg3[%get3A_2, %get3A_3] : memref<64x16xf32, #tpu.memory_space<vmem>>, vector<64x16xf32>
    %dot_general3A = arith.constant dense<0.000000e+00> : vector<4096x64xf32>
    %dot_general3A_5 = tpu.matmul %get3A_1, %get3A_4, %dot_general3A {dimension_numbers = #tpu.dot_dimension_numbers<[1], [1], [0], [0], [0, 0, 1, 0], [], []>, transpose_lhs_hint = false} : vector<4096x16xf32>, vector<64x16xf32>, vector<4096x64xf32> -> vector<4096x64xf32>
    %get3A_6 = arith.constant 0 : index
    %get3A_7 = arith.constant 0 : index
    %get3A_8 = vector.load %arg1[%get3A_6, %get3A_7] : memref<4096x64xf32, #tpu.memory_space<vmem>>, vector<4096x64xf32>
    %add3A = arith.addf %get3A_8, %dot_general3A_5 : vector<4096x64xf32>
    %swap3A = arith.constant 0 : index
    %swap3A_9 = arith.constant 0 : index
    %swap3A_10 = vector.load %arg4[%swap3A, %swap3A_9] : memref<4096x64xf32, #tpu.memory_space<vmem>>, vector<4096x64xf32>
    tpu.vector_store %arg4[%swap3A, %swap3A_9], %add3A {strides = array<i32>} : memref<4096x64xf32, #tpu.memory_space<vmem>>, vector<4096x64xf32>,
    return
  }
  func.func @transform_0(%arg0: i32) -> (i32, i32) {
    %c0_i32 = arith.constant 0 : i32
    %c0_i32_0 = arith.constant 0 : i32
    return %arg0, %c0_i32 : i32, i32
  }
  func.func @transform_1(%arg0: i32) -> (i32, i32) {
    %c0_i32 = arith.constant 0 : i32
    %c0_i32_0 = arith.constant 0 : i32
    return %arg0, %c0_i32 : i32, i32
  }
  func.func @transform_2(%arg0: i32) -> (i32, i32) {
    %c0_i32 = arith.constant 0 : i32
    %c0_i32_0 = arith.constant 0 : i32
    %c0_i32_1 = arith.constant 0 : i32
    return %c0_i32, %c0_i32_0 : i32, i32
  }
  func.func @transform_3(%arg0: i32) -> (i32, i32) {
    %c0_i32 = arith.constant 0 : i32
    %c0_i32_0 = arith.constant 0 : i32
    return %arg0, %c0_i32 : i32, i32
  }
}

</mosaic_0001>

<sc_bundles>
// kernel: kernel.4.cloned.1.call-start
scs
__scs_entry_jumppad:
0x0: {  	(pc) =	sbr.rel $0x88, $3  }
0x1: {  	(tag) =	ssettag $0x0;
	lr =	simm.s32 $0x1  }
0x2: {  	[smem:$0x3F9D] =	sst lr;
	_ =	strace $0xD0000000  }
0x3: {  	_ = 	snop  }
0x4: {  	_ = 	snop  }
0x5: {  	_ = 	snop  }
0x6: {  	_ = 	snop  }
0x7: {  	_ = 	snop  }
__scs_overlays_trampoline_lowered:
0x8: {  	[smem:$0x3FAC] =	sst s0  }
0x9: {  	[smem:$0x3FAD] =	sst s1  }
0xa: {  	[smem:$0x3FAE] =	sst s2  }
0xb: {  	[smem:$0x3FAF] =	sst s3  }
0xc: {  	[smem:$0x3FB0] =	sst s4  }
0xd: {  	[smem:$0x3FB1] =	sst s5  }
0xe: {  	[smem:$0x3FB2] =	sst s6  }
0xf: {  	[smem:$0x3FB3] =	sst s7  }
0x10: {  	[smem:$0x3FB4] =	sst s8  }
0x11: {  	[smem:$0x3FB5] =	sst s9;
	s0 =	simm.s32 @!p0 $0x0  }
0x12: {  	s1 =	sld [smem:$0x3F9B];
	s0 =	simm.s32 @p0 $0x1  }
0x13: {  	[smem:$0x3FB6] =	sst s0;
	s0 =	simm.s32 @!p1 $0x0  }
0x14: {  	s2 =	sld [smem:$0x3F9A];
	s0 =	simm.s32 @p1 $0x1  }
0x15: {  	[smem:$0x3FB7] =	sst s0;
	s0 =	simm.s32 @!p2 $0x0  }
0x16: {  	s3 =	sld [smem:$0x3FDB];
	s0 =	simm.s32 @p2 $0x1  }
0x17: {  	s4 =	simm.s32 $0x1BF5;
	[smem:$0x3FB9] =	sst s0  }
0x18: {  	s0 =	sld [smem:$0x3F9C];
	_ =	swait.ge [sflag:s4], $0x0  }
0x19: {  	s7 =	sld [smem:$0x3F9D]  }
0x1a: {  	s8 =	sadd.s32 $0xFFFFE003, lr  }
0x1b: {  	s9 =	sadd.s32 $0xFFFFFEF7, lr;
	s5 =	simm.s32 $0xFFFFFFFF;
	p2 =	slt.u32 s8, $0xFFFFF086  }
0x1c: {  	p1 =	slt.u32 s9, $0xF7A;
	s5 =	simm.s32 @!p2 $0x0  }
0x1d: {  	s5 =	simm.s32 @p1 $0x1;
	p0 =	seq.s32 s7, s2  }
0x1e: {  	s7 =	smul.u32 @!p0 $0xF7A, s2;
	p2 =	seq.s32 @!p0 s5, $0x0  }
0x1f: {  	s9 =	smul.u32 $0xF7A, s1;
	s8 =	simm.s32 @!p0 $0x1BF5;
	p2 =	por !p2, p0  }
0x20: {  	[sflag:s8] =	ssyncset.s32 @!p0 $0xFFFFF086;
	s6 =	sadd.s32 @!p0 s3, s7;
	s7 =	simm.s32 @!p0 $0x108  }
0x21: {  	s3 =	sadd.s32 s3, s9;
	s6 =	sadd.s32 @!p0 $0x88, s6;
	s7 =	simm.s32 @p2 $0x1082  }
0x22: {  	[simem:s7], [sflag:s8] =	dma.local @!p0 [hbm:s6], $0xF7A  }
0x23: {  	s9 =	sor.u32 $0xD0000000, s2;
	s6 =	simm.s32 $0x108;
	_ =	swait.ge @!p0 [sflag:s8], $0x0  }
0x24: {  	s3 =	sadd.s32 $0x88, s3;
	s6 =	simm.s32 @!p1 $0x1082;
	[sflag:s4] =	ssyncset.s32 $0xFFFFF086  }
0x25: {  	[simem:s6], [sflag:s4] =	dma.local [hbm:s3], $0xF7A  }
0x26: {  	[smem:$0x3F9D] =	sst s1;
	(tag) =	ssettag s2;
	_ =	strace s9  }
0x27: {  	s1 =	sld [smem:$0x3FAD]  }
0x28: {  	s2 =	sld [smem:$0x3FAE]  }
0x29: {  	s4 =	sld [smem:$0x3FB0]  }
0x2a: {  	p0 =	seq.s32 s5, $0x0;
	s5 =	sld [smem:$0x3FB1]  }
0x2b: {  	s6 =	sld [smem:$0x3FB2]  }
0x2c: {  	s7 =	sld [smem:$0x3FB3]  }
0x2d: {  	s3 =	simm.s32 $0x108;
	s8 =	sld [smem:$0x3FB4]  }
0x2e: {  	s3 =	simm.s32 @!p0 $0x1082;
	s9 =	sld [smem:$0x3FB5]  }
0x2f: {  	lr =	sadd.s32 s0, s3;
	s0 =	sld [smem:$0x3FAC]  }
0x30: {  	s3 =	sld [smem:$0x3FAF]  }
0x31: {  	[smem:$0x3FB8] =	sst s10  }
0x32: {  	s10 =	sld [smem:$0x3FB6];
	_ =	sdelay $0x3  }
0x33: {  	p0 =	seq.s32 s10, $0x1;
	s10 =	sld [smem:$0x3FB8];
	_ =	sdelay $0x3  }
0x34: {  	[smem:$0x3FB8] =	sst s10  }
0x35: {  	s10 =	sld [smem:$0x3FB7];
	_ =	sdelay $0x3  }
0x36: {  	p1 =	seq.s32 s10, $0x1;
	s10 =	sld [smem:$0x3FB8];
	_ =	sdelay $0x3  }
0x37: {  	[smem:$0x3FB8] =	sst s10  }
0x38: {  	s10 =	sld [smem:$0x3FB9]  }
0x39: {  	_ = 	snop;
	(pc) =	sbr.ind lr, $3  }
0x3a: {  	_ = 	snop  }
0x3b: {  	_ = 	snop  }
0x3c: {  	p2 =	seq.s32 s10, $0x1;
	s10 =	sld [smem:$0x3FB8]  }
0x3d: {  	_ =	shalt  }
0x3e: {  	_ =	shalt  }
0x3f: {  	_ =	shalt  }
0x40: {  	_ =	shalt  }
0x41: {  	_ =	shalt  }
0x42: {  	_ =	shalt  }
0x43: {  	_ =	shalt  }
0x44: {  	_ =	shalt  }
0x45: {  	_ =	shalt  }
0x46: {  	_ =	shalt  }
0x47: {  	_ =	shalt  }
0x48: {  	_ =	shalt  }
0x49: {  	_ =	shalt  }
0x4a: {  	_ =	shalt  }
0x4b: {  	_ =	shalt  }
0x4c: {  	_ =	shalt  }
0x4d: {  	_ =	shalt  }
0x4e: {  	_ =	shalt  }
0x4f: {  	_ =	shalt  }
0x50: {  	_ =	shalt  }
0x51: {  	_ =	shalt  }
0x52: {  	_ =	shalt  }
0x53: {  	_ =	shalt  }
0x54: {  	_ =	shalt  }
0x55: {  	_ =	shalt  }
0x56: {  	_ =	shalt  }
0x57: {  	_ =	shalt  }
0x58: {  	_ =	shalt  }
0x59: {  	_ =	shalt  }
0x5a: {  	_ =	shalt  }
0x5b: {  	_ =	shalt  }
0x5c: {  	_ =	shalt  }
0x5d: {  	_ =	shalt  }
0x5e: {  	_ =	shalt  }
0x5f: {  	_ =	shalt  }
0x60: {  	_ =	shalt  }
0x61: {  	_ =	shalt  }
0x62: {  	_ =	shalt  }
0x63: {  	_ =	shalt  }
0x64: {  	_ =	shalt  }
0x65: {  	_ =	shalt  }
0x66: {  	_ =	shalt  }
0x67: {  	_ =	shalt  }
0x68: {  	_ =	shalt  }
0x69: {  	_ =	shalt  }
0x6a: {  	_ =	shalt  }
0x6b: {  	_ =	shalt  }
0x6c: {  	_ =	shalt  }
0x6d: {  	_ =	shalt  }
0x6e: {  	_ =	shalt  }
0x6f: {  	_ =	shalt  }
0x70: {  	_ =	shalt  }
0x71: {  	_ =	shalt  }
0x72: {  	_ =	shalt  }
0x73: {  	_ =	shalt  }
0x74: {  	_ =	shalt  }
0x75: {  	_ =	shalt  }
0x76: {  	_ =	shalt  }
0x77: {  	_ =	shalt  }
0x78: {  	_ =	shalt  }
0x79: {  	_ =	shalt  }
0x7a: {  	_ =	shalt  }
0x7b: {  	_ =	shalt  }
0x7c: {  	_ =	shalt  }
0x7d: {  	_ =	shalt  }
0x7e: {  	_ =	shalt  }
0x7f: {  	_ =	shalt  }
0x80: {  	_ =	shalt  }
0x81: {  	_ =	shalt  }
0x82: {  	_ =	shalt  }
0x83: {  	_ =	shalt  }
0x84: {  	_ =	shalt  }
0x85: {  	_ =	shalt  }
0x86: {  	_ =	shalt  }
0x87: {  	_ =	shalt  }
.Lfunc_end0:
.L_simem_size_0:
called_computation.1_lowered:
.L_overlay_start_0:
0x88: {  	s2 =	sld [smem:$0x3FD9]  }
0x89: {  	s3 =	sld [smem:$0x3FFE];
	_ =	sdelay $0x1  }
0x8a: {  	s1 =	srdreg.scid  }
0x8b: {  	s0 =	sand.u32 $0x1, s1  }
0x8c: {  	s17 =	sshll.u32 s0, $0xA;
	s2 =	sadd.s32 s3, s2  }
0x8d: {  	s2 =	sadd.s32 s2, s17  }
0x8e: {  	[smem:$0x3FC4] =	sst s2  }
0x8f: {  	_ = 	snop  }
0x90: {  	s2 =	sld [smem:$0x3FD0];
	(tm) =	ssettm $0x1  }
0x91: {  	s18 =	sld [smem:$0x3FFB];
	_ =	sdelay $0x3  }
0x92: {  	_ =	strace s18  }
0x93: {  	s3 =	sld [smem:$0x3FFC];
	_ =	sdelay $0x3  }
0x94: {  	_ =	strace s3  }
0x95: {  	s3 =	sld [smem:$0x3FFD];
	_ =	sdelay $0x3  }
0x96: {  	_ =	strace s3  }
0x97: {  	_ =	strace $0x8FFFFFFF  }
0x98: {  	s19 =	sld [smem:$0x3FDB];
	_ =	sdelay $0x1  }
0x99: {  	s4 =	simm.s32 $_scs_section_size  }
0x9a: {  	s5 =	simm.s32 $_size__tile_overlayer_lowered;
	s6 =	simm.s32 $_tile_overlayer_lowered  }
0x9b: {  	s22 =	simm.s32 $0x1BFF;
	s21 =	sshll.u32 s6, $0x1;
	s3 =	sadd.s32 s4, s19  }
0x9c: {  	s7 =	simm.s32 $0x0;
	s20 =	sshll.u32 s5, $0x1;
	s5 =	sadd.s32 s21, s3  }
0x9d: {  	[timem:s7], [sflag:s22] =	dma.local [hbm:s5], s20  }
0x9e: {  	_ =	swait.ge [sflag:s22], s20  }
0x9f: {  	s4 =	ssub.s32 $0x0, s20;
	[sflag:s22] =	ssyncset.done $0x0  }
0xa0: {  	[sflag:s22] =	ssyncadd.s32 s4;
	_ =	sdelay $0x1  }
0xa1: {  	s23 =	simm.s32 $0x1B8B  }
0xa2: {  	_ =	swait.ge [sflag:s23], $0x1  }
0xa3: {  	[sflag:s23] =	ssyncset.done $0x0  }
0xa4: {  	s25 =	simm.s32 $0x1B8E;
	s24 =	sld [smem:$0x3FFE];
	[sflag:s23] =	ssyncadd.s32 $0xFFFFFFFF  }
0xa5: {  	s26 =	simm.s32 $execute0_lowered;
	[smem:$0x3FD2] =	sst s25  }
0xa6: {  	s5 =	sshll.u32 s26, $0x1;
	_ =	strace $0x80000046;
	[dreg:$0x1] =	wrdreg $0xFFFFFFFF  }
0xa7: {  	s28 =	simm.s32 $_size_execute0_lowered;
	s3 =	sadd.s32 s3, s5;
	[dreg:$0x0] =	wrdreg $0x0  }
0xa8: {  	s5 =	sshll.u32 s28, $0x1;
	[dreg:$0x2] =	wrdreg s3  }
0xa9: {  	[dreg:$0x3] =	wrdreg s5  }
0xaa: {  	[dreg:$0x4] =	wrdreg $0xC0  }
0xab: {  	_ =	task [dreg:s7], $0x5FFFF  }
0xac: {  	[dreg:$0x1] =	wrdreg $0xFFFFFFFF  }
0xad: {  	[dreg:$0x0] =	wrdreg $0x60  }
0xae: {  	[dreg:$0x2] =	wrdreg s24  }
0xaf: {  	[dreg:$0x3] =	wrdreg s2  }
0xb0: {  	[dreg:$0x4] =	wrdreg $0x9  }
0xb1: {  	_ =	task.clear_ibuf [dreg:s7], $0x5FFFF;
	_ =	strace $0x90000046  }
0xb2: {  	s29 =	simm.s32 $0x9;
	_ =	strace $0x80000048  }
0xb3: {  	_ =	swait.ge [sflag:s29], $0x1  }
0xb4: {  	[sflag:s29] =	ssyncadd.s32 $0xFFFFFFFF  }
0xb5: {  	_ =	strace $0x90000048  }
0xb6: {  	_ =	sfence  }
0xb7: {  	s30 =	sld [smem:$0x0];
	_ =	sdelay $0x2  }
0xb8: {  	s31 =	sshll.u32 s1, $0xD;
	s1 =	sshrl.u32 s1, $0x2  }
0xb9: {  	s3 =	sand.u32 $0x4000, s31;
	s1 =	sadd.s32 s1, s30  }
0xba: {  	s0 =	sor.u32 s3, s0;
	s1 =	sshll.u32 s1, $0x11  }
0xbb: {  	s0 =	sor.u32 s1, s0  }
0xbc: {  	s0 =	sadd.s32 $0x8F2B, s0  }
0xbd: {  	[sflag:s0] =	ssyncadd.remote.s32 $0x1  }
0xbe: {  	_ =	sfence.sel $0xFFFF  }
0xbf: {  	[dreg:$0x0] =	wrdreg $0xFFFFFFFF;
	(pc) =	sbr.abs _section_cstart, $3  }
0xc0: {  	[dreg:$0x1] =	wrdreg $0xFFFFFFFF  }
0xc1: {  	_ =	task.clear_ibuf [dreg:s7], $0x2FFFF;
	_ =	strace $0x9FFFFFFF  }
0xc2: {  	(tm) =	ssettm $0x7FFFFFFF  }
0xc3: {  	_ =	shalt  }
tec
execute0_lowered:
.L_overlay_start_1:
0x0: {  	(tag) =	ssettag $0x1  }
0x1: {  	s0 =	rddreg [dreg:$0x0]  }
0x2: {  	s1 =	rddreg [dreg:$0x1];
	s2 =	simm.s32 $0x0;
	s11 =	stileid.u32  }
0x3: {  	s4 =	srdreg.scid;
	s23 =	simm.s32 $0x2400;
	s24 =	simm.s32 $0x10C00  }
0x4: {  	s25 =	simm.s32 $0x4400;
	s26 =	simm.s32 $0x11400;
	s12 =	simm.s32 $0x100  }
0x5: {  	s31 =	simm.s32 $0x6400;
	s13 =	simm.s32 $0x180;
	s14 =	simm.s32 $0x11C00  }
0x6: {  	s15 =	simm.s32 $0x200;
	s16 =	simm.s32 $0x8400;
	s28 =	simm.s32 $0x1  }
0x7: {  	s29 =	simm.s32 $0x2;
	[smem:$0x7FF] =	sst s2;
	s3 =	smul.u32 $0x1900, s11  }
0x8: {  	s5 =	smul.u32 $0x19000, s11;
	_ =	strace $0x80000047;
	[dreg:$0x4] =	wrdreg s23  }
0x9: {  	s6 =	sand.u32 $0x1, s4;
	s11 =	smul.u32 $0x64000, s11;
	[dreg:$0x5] =	wrdreg s24  }
0xa: {  	s30 =	simm.s32 $0x0;
	s9 =	smul.u32 $0xC800, s6;
	[dreg:$0x6] =	wrdreg s25  }
0xb: {  	s4 =	sadd.s32 $0x16FD600, s0;
	s17 =	smul.u32 $0xC80, s6;
	[dreg:$0x7] =	wrdreg s26  }
0xc: {  	s8 =	ssub.s32 $0x2, s6;
	s19 =	smul.u32 $0x32000, s6;
	[dreg:$0x8] =	wrdreg s31  }
0xd: {  	s23 =	simm.s32 $0x13400;
	s24 =	simm.s32 $0x380;
	s25 =	simm.s32 $0xE400  }
0xe: {  	s26 =	simm.s32 $0x13C00;
	s7 =	sadd.s32 s3, s0;
	s3 =	sadd.s32 $0xF5C400, s0  }
0xf: {  	s10 =	sshrl.u32 s8, $0x1;
	s0 =	sadd.s32 s5, s0;
	s1 =	sadd.s32 s11, s1  }
0x10: {  	s11 =	simm.s32 $0x10400;
	s8 =	ssub.s32 s8, s10;
	s0 =	sadd.s32 s9, s0  }
0x11: {  	s20 =	sadd.s32 s17, s7;
	s21 =	sadd.s32 s19, s1;
	s9 =	simm.s32 $0x80  }
0x12: {  	s10 =	simm.s32 $0x400;
	s17 =	simm.s32 $0x12400;
	s19 =	simm.s32 $0xA400  }
0x13: {  	s18 =	smax.u32 s8, $0x1;
	s0 =	sadd.s32 $0x1A000, s0;
	[dreg:$0xb] =	wrdreg s21  }
0x14: {  	s22 =	sadd.s32 $0x1000, s20;
	s8 =	simm.s32 $0x3;
	[dreg:$0x9] =	wrdreg s18  }
0x15: {  	s20 =	simm.s32 $0x12C00;
	s21 =	simm.s32 $0x300;
	[dreg:$0xa] =	wrdreg s0  }
0x16: {  	[dreg:$0x3] =	wrdreg s22;
	s18 =	simm.s32 $0x280;
	s22 =	simm.s32 $0xC400  }
.LBB2_1:
0x17: {  	s1 =	rddreg [dreg:$0x3]  }
0x18: {  	s1 =	sadd.s32 $0x0, s1  }
0x19: {  	[tilespmem:s2], [sflag:$0x3] =	stream.linear.gather [hbm4b:s1+s2], $0x400, $0x38;
	[tilespmem:$0x14400] =	vst v63  }
0x1a: {  	_ =	swait.ge [sflag:s8], $0x400  }
0x1b: {  	[sflag:s8] =	ssyncset.done $0x0  }
0x1c: {  	[sflag:s8] =	ssyncadd.s32 $0xFFFFFC00  }
0x1d: {  	[tilespmem:s10], [sflag:$0x1] =	stream.indirect.gather [hbm4b:s3+s9], $0x40, s2, s9, $0xb8;
	[tilespmem:$0x14400] =	vst v63  }
0x1e: {  	_ = 	snop  }
0x1f: {  	[tilespmem:s11], [sflag:$0x2] =	stream.indirect.gather [hbm4b:s4+s9], $0x10, s2, s9, $0xb8;
	[tilespmem:$0x14400] =	vst v63  }
0x20: {  	s7 =	rddreg [dreg:$0x4]  }
0x21: {  	[tilespmem:s7], [sflag:$0x1] =	stream.indirect.gather [hbm4b:s3+s9], $0x40, s9, s9, $0xb8;
	[tilespmem:$0x14400] =	vst v63  }
0x22: {  	s5 =	rddreg [dreg:$0x5]  }
0x23: {  	[tilespmem:s5], [sflag:$0x2] =	stream.indirect.gather [hbm4b:s4+s9], $0x10, s9, s9, $0xb8;
	[tilespmem:$0x14400] =	vst v63  }
0x24: {  	s0 =	rddreg [dreg:$0x6]  }
0x25: {  	[tilespmem:s0], [sflag:$0x1] =	stream.indirect.gather [hbm4b:s3+s9], $0x40, s12, s9, $0xb8;
	[tilespmem:$0x14400] =	vst v63  }
0x26: {  	s6 =	rddreg [dreg:$0x7]  }
0x27: {  	[tilespmem:s6], [sflag:$0x2] =	stream.indirect.gather [hbm4b:s4+s9], $0x10, s12, s9, $0xb8;
	[tilespmem:$0x14400] =	vst v63  }
0x28: {  	s7 =	rddreg [dreg:$0x8]  }
0x29: {  	[tilespmem:s7], [sflag:$0x1] =	stream.indirect.gather [hbm4b:s3+s9], $0x40, s13, s9, $0xb8;
	[tilespmem:$0x14400] =	vst v63  }
0x2a: {  	_ = 	snop  }
0x2b: {  	[tilespmem:s14], [sflag:$0x2] =	stream.indirect.gather [hbm4b:s4+s9], $0x10, s13, s9, $0xb8;
	[tilespmem:$0x14400] =	vst v63  }
0x2c: {  	_ = 	snop  }
0x2d: {  	[tilespmem:s16], [sflag:$0x1] =	stream.indirect.gather [hbm4b:s3+s9], $0x40, s15, s9, $0xb8;
	[tilespmem:$0x14400] =	vst v63  }
0x2e: {  	_ = 	snop  }
0x2f: {  	[tilespmem:s17], [sflag:$0x2] =	stream.indirect.gather [hbm4b:s4+s9], $0x10, s15, s9, $0xb8;
	[tilespmem:$0x14400] =	vst v63  }
0x30: {  	_ = 	snop  }
0x31: {  	[tilespmem:s19], [sflag:$0x1] =	stream.indirect.gather [hbm4b:s3+s9], $0x40, s18, s9, $0xb8;
	[tilespmem:$0x14400] =	vst v63  }
0x32: {  	_ = 	snop  }
0x33: {  	[tilespmem:s20], [sflag:$0x2] =	stream.indirect.gather [hbm4b:s4+s9], $0x10, s18, s9, $0xb8;
	[tilespmem:$0x14400] =	vst v63  }
0x34: {  	_ = 	snop  }
0x35: {  	[tilespmem:s22], [sflag:$0x1] =	stream.indirect.gather [hbm4b:s3+s9], $0x40, s21, s9, $0xb8;
	[tilespmem:$0x14400] =	vst v63  }
0x36: {  	_ = 	snop  }
0x37: {  	[tilespmem:s23], [sflag:$0x2] =	stream.indirect.gather [hbm4b:s4+s9], $0x10, s21, s9, $0xb8;
	[tilespmem:$0x14400] =	vst v63  }
0x38: {  	_ = 	snop  }
0x39: {  	[tilespmem:s25], [sflag:$0x1] =	stream.indirect.gather [hbm4b:s3+s9], $0x40, s24, s9, $0xb8;
	[tilespmem:$0x14400] =	vst v63  }
0x3a: {  	_ = 	snop  }
0x3b: {  	[tilespmem:s26], [sflag:$0x2] =	stream.indirect.gather [hbm4b:s4+s9], $0x10, s24, s9, $0xb8;
	[tilespmem:$0x14400] =	vst v63  }
0x3c: {  	_ =	swait.ge [sflag:s28], $0x2000  }
0x3d: {  	[sflag:s28] =	ssyncset.done $0x0  }
0x3e: {  	[sflag:s28] =	ssyncadd.s32 $0xFFFFE000  }
0x3f: {  	_ =	swait.ge [sflag:s29], $0x800  }
0x40: {  	[sflag:s29] =	ssyncset.done $0x0  }
0x41: {  	[sflag:s29] =	ssyncadd.s32 $0xFFFFF800  }
0x42: {  	_ =	swait.ge [sflag:s28], $0x2000  }
0x43: {  	[sflag:s28] =	ssyncset.done $0x0  }
0x44: {  	[sflag:s28] =	ssyncadd.s32 $0xFFFFE000  }
0x45: {  	_ =	swait.ge [sflag:s29], $0x800  }
0x46: {  	[sflag:s29] =	ssyncset.done $0x0  }
0x47: {  	[sflag:s29] =	ssyncadd.s32 $0xFFFFF800  }
0x48: {  	_ =	swait.ge [sflag:s28], $0x2000  }
0x49: {  	[sflag:s28] =	ssyncset.done $0x0  }
0x4a: {  	[sflag:s28] =	ssyncadd.s32 $0xFFFFE000  }
0x4b: {  	_ =	swait.ge [sflag:s29], $0x800  }
0x4c: {  	[sflag:s29] =	ssyncset.done $0x0  }
0x4d: {  	[sflag:s29] =	ssyncadd.s32 $0xFFFFF800  }
0x4e: {  	_ =	swait.ge [sflag:s28], $0x2000  }
0x4f: {  	[sflag:s28] =	ssyncset.done $0x0  }
0x50: {  	[sflag:s28] =	ssyncadd.s32 $0xFFFFE000  }
0x51: {  	_ =	swait.ge [sflag:s29], $0x800  }
0x52: {  	[sflag:s29] =	ssyncset.done $0x0  }
0x53: {  	[sflag:s29] =	ssyncadd.s32 $0xFFFFF800  }
0x54: {  	_ =	swait.ge [sflag:s28], $0x2000  }
0x55: {  	[sflag:s28] =	ssyncset.done $0x0  }
0x56: {  	[sflag:s28] =	ssyncadd.s32 $0xFFFFE000  }
0x57: {  	_ =	swait.ge [sflag:s29], $0x800  }
0x58: {  	[sflag:s29] =	ssyncset.done $0x0  }
0x59: {  	[sflag:s29] =	ssyncadd.s32 $0xFFFFF800  }
0x5a: {  	_ =	swait.ge [sflag:s28], $0x2000  }
0x5b: {  	[sflag:s28] =	ssyncset.done $0x0  }
0x5c: {  	[sflag:s28] =	ssyncadd.s32 $0xFFFFE000  }
0x5d: {  	_ =	swait.ge [sflag:s29], $0x800  }
0x5e: {  	[sflag:s29] =	ssyncset.done $0x0  }
0x5f: {  	[sflag:s29] =	ssyncadd.s32 $0xFFFFF800  }
0x60: {  	_ =	swait.ge [sflag:s28], $0x2000  }
0x61: {  	[sflag:s28] =	ssyncset.done $0x0  }
0x62: {  	[sflag:s28] =	ssyncadd.s32 $0xFFFFE000  }
0x63: {  	_ =	swait.ge [sflag:s29], $0x800  }
0x64: {  	[sflag:s29] =	ssyncset.done $0x0  }
0x65: {  	[sflag:s29] =	ssyncadd.s32 $0xFFFFF800  }
0x66: {  	_ =	swait.ge [sflag:s28], $0x2000  }
0x67: {  	[sflag:s28] =	ssyncset.done $0x0  }
0x68: {  	[sflag:s28] =	ssyncadd.s32 $0xFFFFE000  }
0x69: {  	_ =	swait.ge [sflag:s29], $0x800  }
0x6a: {  	[sflag:s29] =	ssyncset.done $0x0  }
0x6b: {  	s7 =	rddreg [dreg:$0xb];
	[sflag:s29] =	ssyncadd.s32 $0xFFFFF800  }
0x6c: {  	[hbm4b:s7+s2] =	stream.linear.scatter [tilespmem:s10], [sflag:$0x3], $0x10000, $0x38;
	[tilespmem:$0x14400] =	vst v63  }
0x6d: {  	_ =	swait.ge [sflag:s8], $0x10000  }
0x6e: {  	[sflag:s8] =	ssyncset.done $0x0  }
0x6f: {  	s31 =	rddreg [dreg:$0xa];
	[sflag:s8] =	ssyncadd.s32 $0xFFFF0000  }
0x70: {  	[hbm4b:s31+s2] =	stream.linear.scatter [tilespmem:s11], [sflag:$0x3], $0x4000, $0x38;
	[tilespmem:$0x14400] =	vst v63  }
0x71: {  	s1 =	simm.s32 $0x80;
	_ =	swait.ge [sflag:s8], $0x4000  }
0x72: {  	s5 =	simm.s32 $0x100;
	s6 =	rddreg [dreg:$0x3];
	[sflag:s8] =	ssyncset.done $0x0  }
.LBB2_2:
0x73: {  	[sflag:s8] =	ssyncadd.s32 $0xFFFFC000;
	s6 =	sadd.s32 s1, s6  }
0x74: {  	[tilespmem:s2], [sflag:$0x3] =	stream.linear.gather [hbm4b:s6+s2], $0x400, $0x38;
	[tilespmem:$0x14400] =	vst v63  }
0x75: {  	_ =	swait.ge [sflag:s8], $0x400  }
0x76: {  	[sflag:s8] =	ssyncset.done $0x0  }
0x77: {  	[sflag:s8] =	ssyncadd.s32 $0xFFFFFC00  }
0x78: {  	[tilespmem:s10], [sflag:$0x1] =	stream.indirect.gather [hbm4b:s3+s9], $0x40, s2, s9, $0xb8;
	[tilespmem:$0x14400] =	vst v63  }
0x79: {  	s0 =	smov.u32 s5  }
0x7a: {  	[tilespmem:s11], [sflag:$0x2] =	stream.indirect.gather [hbm4b:s4+s9], $0x10, s2, s9, $0xb8;
	[tilespmem:$0x14400] =	vst v63  }
0x7b: {  	s1 =	smov.u32 s0;
	s0 =	rddreg [dreg:$0x4]  }
0x7c: {  	[tilespmem:s0], [sflag:$0x1] =	stream.indirect.gather [hbm4b:s3+s9], $0x40, s9, s9, $0xb8;
	[tilespmem:$0x14400] =	vst v63  }
0x7d: {  	s6 =	rddreg [dreg:$0x5]  }
0x7e: {  	[tilespmem:s6], [sflag:$0x2] =	stream.indirect.gather [hbm4b:s4+s9], $0x10, s9, s9, $0xb8;
	[tilespmem:$0x14400] =	vst v63  }
0x7f: {  	s0 =	rddreg [dreg:$0x6]  }
0x80: {  	[tilespmem:s0], [sflag:$0x1] =	stream.indirect.gather [hbm4b:s3+s9], $0x40, s12, s9, $0xb8;
	[tilespmem:$0x14400] =	vst v63  }
0x81: {  	s6 =	rddreg [dreg:$0x7]  }
0x82: {  	[tilespmem:s6], [sflag:$0x2] =	stream.indirect.gather [hbm4b:s4+s9], $0x10, s12, s9, $0xb8;
	[tilespmem:$0x14400] =	vst v63  }
0x83: {  	s0 =	rddreg [dreg:$0x8]  }
0x84: {  	[tilespmem:s0], [sflag:$0x1] =	stream.indirect.gather [hbm4b:s3+s9], $0x40, s13, s9, $0xb8;
	[tilespmem:$0x14400] =	vst v63  }
0x85: {  	_ = 	snop  }
0x86: {  	[tilespmem:s14], [sflag:$0x2] =	stream.indirect.gather [hbm4b:s4+s9], $0x10, s13, s9, $0xb8;
	[tilespmem:$0x14400] =	vst v63  }
0x87: {  	_ = 	snop  }
0x88: {  	[tilespmem:s16], [sflag:$0x1] =	stream.indirect.gather [hbm4b:s3+s9], $0x40, s15, s9, $0xb8;
	[tilespmem:$0x14400] =	vst v63  }
0x89: {  	_ = 	snop  }
0x8a: {  	[tilespmem:s17], [sflag:$0x2] =	stream.indirect.gather [hbm4b:s4+s9], $0x10, s15, s9, $0xb8;
	[tilespmem:$0x14400] =	vst v63  }
0x8b: {  	_ = 	snop  }
0x8c: {  	[tilespmem:s19], [sflag:$0x1] =	stream.indirect.gather [hbm4b:s3+s9], $0x40, s18, s9, $0xb8;
	[tilespmem:$0x14400] =	vst v63  }
0x8d: {  	_ = 	snop  }
0x8e: {  	[tilespmem:s20], [sflag:$0x2] =	stream.indirect.gather [hbm4b:s4+s9], $0x10, s18, s9, $0xb8;
	[tilespmem:$0x14400] =	vst v63  }
0x8f: {  	_ = 	snop  }
0x90: {  	[tilespmem:s22], [sflag:$0x1] =	stream.indirect.gather [hbm4b:s3+s9], $0x40, s21, s9, $0xb8;
	[tilespmem:$0x14400] =	vst v63  }
0x91: {  	_ = 	snop  }
0x92: {  	[tilespmem:s23], [sflag:$0x2] =	stream.indirect.gather [hbm4b:s4+s9], $0x10, s21, s9, $0xb8;
	[tilespmem:$0x14400] =	vst v63  }
0x93: {  	_ = 	snop  }
0x94: {  	[tilespmem:s25], [sflag:$0x1] =	stream.indirect.gather [hbm4b:s3+s9], $0x40, s24, s9, $0xb8;
	[tilespmem:$0x14400] =	vst v63  }
0x95: {  	_ = 	snop  }
0x96: {  	[tilespmem:s26], [sflag:$0x2] =	stream.indirect.gather [hbm4b:s4+s9], $0x10, s24, s9, $0xb8;
	[tilespmem:$0x14400] =	vst v63  }
0x97: {  	_ =	swait.ge [sflag:s28], $0x2000  }
0x98: {  	[sflag:s28] =	ssyncset.done $0x0  }
0x99: {  	[sflag:s28] =	ssyncadd.s32 $0xFFFFE000  }
0x9a: {  	_ =	swait.ge [sflag:s29], $0x800  }
0x9b: {  	[sflag:s29] =	ssyncset.done $0x0  }
0x9c: {  	[sflag:s29] =	ssyncadd.s32 $0xFFFFF800  }
0x9d: {  	_ =	swait.ge [sflag:s28], $0x2000  }
0x9e: {  	[sflag:s28] =	ssyncset.done $0x0  }
0x9f: {  	[sflag:s28] =	ssyncadd.s32 $0xFFFFE000  }
0xa0: {  	_ =	swait.ge [sflag:s29], $0x800  }
0xa1: {  	[sflag:s29] =	ssyncset.done $0x0  }
0xa2: {  	[sflag:s29] =	ssyncadd.s32 $0xFFFFF800  }
0xa3: {  	_ =	swait.ge [sflag:s28], $0x2000  }
0xa4: {  	[sflag:s28] =	ssyncset.done $0x0  }
0xa5: {  	[sflag:s28] =	ssyncadd.s32 $0xFFFFE000  }
0xa6: {  	_ =	swait.ge [sflag:s29], $0x800  }
0xa7: {  	[sflag:s29] =	ssyncset.done $0x0  }
0xa8: {  	[sflag:s29] =	ssyncadd.s32 $0xFFFFF800  }
0xa9: {  	_ =	swait.ge [sflag:s28], $0x2000  }
0xaa: {  	[sflag:s28] =	ssyncset.done $0x0  }
0xab: {  	[sflag:s28] =	ssyncadd.s32 $0xFFFFE000  }
0xac: {  	_ =	swait.ge [sflag:s29], $0x800  }
0xad: {  	[sflag:s29] =	ssyncset.done $0x0  }
0xae: {  	[sflag:s29] =	ssyncadd.s32 $0xFFFFF800  }
0xaf: {  	_ =	swait.ge [sflag:s28], $0x2000  }
0xb0: {  	[sflag:s28] =	ssyncset.done $0x0  }
0xb1: {  	[sflag:s28] =	ssyncadd.s32 $0xFFFFE000  }
0xb2: {  	_ =	swait.ge [sflag:s29], $0x800  }
0xb3: {  	[sflag:s29] =	ssyncset.done $0x0  }
0xb4: {  	[sflag:s29] =	ssyncadd.s32 $0xFFFFF800  }
0xb5: {  	_ =	swait.ge [sflag:s28], $0x2000  }
0xb6: {  	[sflag:s28] =	ssyncset.done $0x0  }
0xb7: {  	[sflag:s28] =	ssyncadd.s32 $0xFFFFE000  }
0xb8: {  	_ =	swait.ge [sflag:s29], $0x800  }
0xb9: {  	[sflag:s29] =	ssyncset.done $0x0  }
0xba: {  	[sflag:s29] =	ssyncadd.s32 $0xFFFFF800  }
0xbb: {  	_ =	swait.ge [sflag:s28], $0x2000  }
0xbc: {  	[sflag:s28] =	ssyncset.done $0x0  }
0xbd: {  	[sflag:s28] =	ssyncadd.s32 $0xFFFFE000  }
0xbe: {  	_ =	swait.ge [sflag:s29], $0x800  }
0xbf: {  	[sflag:s29] =	ssyncset.done $0x0  }
0xc0: {  	[sflag:s29] =	ssyncadd.s32 $0xFFFFF800  }
0xc1: {  	_ =	swait.ge [sflag:s28], $0x2000  }
0xc2: {  	[sflag:s28] =	ssyncset.done $0x0  }
0xc3: {  	[sflag:s28] =	ssyncadd.s32 $0xFFFFE000  }
0xc4: {  	_ =	swait.ge [sflag:s29], $0x800  }
0xc5: {  	[sflag:s29] =	ssyncset.done $0x0  }
0xc6: {  	s7 =	sadd.s32 $0x2000, s7;
	[sflag:s29] =	ssyncadd.s32 $0xFFFFF800  }
0xc7: {  	[hbm4b:s7+s2] =	stream.linear.scatter [tilespmem:s10], [sflag:$0x3], $0x10000, $0x38;
	[tilespmem:$0x14400] =	vst v63  }
0xc8: {  	p0 =	sne.s32 s5, $0xC00;
	_ =	swait.ge [sflag:s8], $0x10000  }
.Ltmp0:
0xc9: {  	[sflag:s8] =	ssyncset.done $0x0;
	(pc) =	sbr.rel @p0 .LBB2_2-.Ltmp0, $4  }
0xca: {  	s31 =	sadd.s32 $0x800, s31;
	[sflag:s8] =	ssyncadd.s32 $0xFFFF0000  }
0xcb: {  	[hbm4b:s31+s2] =	stream.linear.scatter [tilespmem:s11], [sflag:$0x3], $0x4000, $0x38;
	[tilespmem:$0x14400] =	vst v63  }
0xcc: {  	_ =	swait.ge [sflag:s8], $0x4000  }
0xcd: {  	s5 =	sadd.s32 $0x80, s5;
	s6 =	rddreg [dreg:$0x3];
	[sflag:s8] =	ssyncset.done $0x0  }
0xce: {  	[sflag:s8] =	ssyncadd.s32 $0xFFFFC000;
	s0 =	sadd.s32 s1, s6  }
0xcf: {  	[tilespmem:s2], [sflag:$0x3] =	stream.linear.gather [hbm4b:s0+s2], $0x400, $0x38;
	[tilespmem:$0x14400] =	vst v63  }
0xd0: {  	_ =	swait.ge [sflag:s8], $0x400  }
0xd1: {  	[sflag:s8] =	ssyncset.done $0x0  }
0xd2: {  	[sflag:s8] =	ssyncadd.s32 $0xFFFFFC00  }
0xd3: {  	[tilespmem:s10], [sflag:$0x1] =	stream.indirect.gather [hbm4b:s3+s9], $0x40, s2, s9, $0xb8;
	[tilespmem:$0x14400] =	vst v63  }
0xd4: {  	_ = 	snop  }
0xd5: {  	[tilespmem:s11], [sflag:$0x2] =	stream.indirect.gather [hbm4b:s4+s9], $0x10, s2, s9, $0xb8;
	[tilespmem:$0x14400] =	vst v63  }
0xd6: {  	s5 =	rddreg [dreg:$0x4]  }
0xd7: {  	[tilespmem:s5], [sflag:$0x1] =	stream.indirect.gather [hbm4b:s3+s9], $0x40, s9, s9, $0xb8;
	[tilespmem:$0x14400] =	vst v63  }
0xd8: {  	s6 =	rddreg [dreg:$0x5]  }
0xd9: {  	[tilespmem:s6], [sflag:$0x2] =	stream.indirect.gather [hbm4b:s4+s9], $0x10, s9, s9, $0xb8;
	[tilespmem:$0x14400] =	vst v63  }
0xda: {  	s5 =	rddreg [dreg:$0x6]  }
0xdb: {  	[tilespmem:s5], [sflag:$0x1] =	stream.indirect.gather [hbm4b:s3+s9], $0x40, s12, s9, $0xb8;
	[tilespmem:$0x14400] =	vst v63  }
0xdc: {  	s6 =	rddreg [dreg:$0x7]  }
0xdd: {  	[tilespmem:s6], [sflag:$0x2] =	stream.indirect.gather [hbm4b:s4+s9], $0x10, s12, s9, $0xb8;
	[tilespmem:$0x14400] =	vst v63  }
0xde: {  	s5 =	rddreg [dreg:$0x8]  }
0xdf: {  	[tilespmem:s5], [sflag:$0x1] =	stream.indirect.gather [hbm4b:s3+s9], $0x40, s13, s9, $0xb8;
	[tilespmem:$0x14400] =	vst v63  }
0xe0: {  	_ = 	snop  }
0xe1: {  	[tilespmem:s14], [sflag:$0x2] =	stream.indirect.gather [hbm4b:s4+s9], $0x10, s13, s9, $0xb8;
	[tilespmem:$0x14400] =	vst v63  }
0xe2: {  	_ = 	snop  }
0xe3: {  	[tilespmem:s16], [sflag:$0x1] =	stream.indirect.gather [hbm4b:s3+s9], $0x40, s15, s9, $0xb8;
	[tilespmem:$0x14400] =	vst v63  }
0xe4: {  	_ = 	snop  }
0xe5: {  	[tilespmem:s17], [sflag:$0x2] =	stream.indirect.gather [hbm4b:s4+s9], $0x10, s15, s9, $0xb8;
	[tilespmem:$0x14400] =	vst v63  }
0xe6: {  	_ = 	snop  }
0xe7: {  	[tilespmem:s19], [sflag:$0x1] =	stream.indirect.gather [hbm4b:s3+s9], $0x40, s18, s9, $0xb8;
	[tilespmem:$0x14400] =	vst v63  }
0xe8: {  	_ = 	snop  }
0xe9: {  	[tilespmem:s20], [sflag:$0x2] =	stream.indirect.gather [hbm4b:s4+s9], $0x10, s18, s9, $0xb8;
	[tilespmem:$0x14400] =	vst v63  }
0xea: {  	_ = 	snop  }
0xeb: {  	[tilespmem:s22], [sflag:$0x1] =	stream.indirect.gather [hbm4b:s3+s9], $0x40, s21, s9, $0xb8;
	[tilespmem:$0x14400] =	vst v63  }
0xec: {  	_ = 	snop  }
0xed: {  	[tilespmem:s23], [sflag:$0x2] =	stream.indirect.gather [hbm4b:s4+s9], $0x10, s21, s9, $0xb8;
	[tilespmem:$0x14400] =	vst v63  }
0xee: {  	_ = 	snop  }
0xef: {  	[tilespmem:s25], [sflag:$0x1] =	stream.indirect.gather [hbm4b:s3+s9], $0x40, s24, s9, $0xb8;
	[tilespmem:$0x14400] =	vst v63  }
0xf0: {  	_ = 	snop  }
0xf1: {  	[tilespmem:s26], [sflag:$0x2] =	stream.indirect.gather [hbm4b:s4+s9], $0x10, s24, s9, $0xb8;
	[tilespmem:$0x14400] =	vst v63  }
0xf2: {  	_ =	swait.ge [sflag:s28], $0x2000  }
0xf3: {  	[sflag:s28] =	ssyncset.done $0x0  }
0xf4: {  	[sflag:s28] =	ssyncadd.s32 $0xFFFFE000  }
0xf5: {  	_ =	swait.ge [sflag:s29], $0x800  }
0xf6: {  	[sflag:s29] =	ssyncset.done $0x0  }
0xf7: {  	[sflag:s29] =	ssyncadd.s32 $0xFFFFF800  }
0xf8: {  	_ =	swait.ge [sflag:s28], $0x2000  }
0xf9: {  	[sflag:s28] =	ssyncset.done $0x0  }
0xfa: {  	[sflag:s28] =	ssyncadd.s32 $0xFFFFE000  }
0xfb: {  	_ =	swait.ge [sflag:s29], $0x800  }
0xfc: {  	[sflag:s29] =	ssyncset.done $0x0  }
0xfd: {  	[sflag:s29] =	ssyncadd.s32 $0xFFFFF800  }
0xfe: {  	_ =	swait.ge [sflag:s28], $0x2000  }
0xff: {  	[sflag:s28] =	ssyncset.done $0x0  }
0x100: {  	[sflag:s28] =	ssyncadd.s32 $0xFFFFE000  }
0x101: {  	_ =	swait.ge [sflag:s29], $0x800  }
0x102: {  	[sflag:s29] =	ssyncset.done $0x0  }
0x103: {  	[sflag:s29] =	ssyncadd.s32 $0xFFFFF800  }
0x104: {  	_ =	swait.ge [sflag:s28], $0x2000  }
0x105: {  	[sflag:s28] =	ssyncset.done $0x0  }
0x106: {  	[sflag:s28] =	ssyncadd.s32 $0xFFFFE000  }
0x107: {  	_ =	swait.ge [sflag:s29], $0x800  }
0x108: {  	[sflag:s29] =	ssyncset.done $0x0  }
0x109: {  	[sflag:s29] =	ssyncadd.s32 $0xFFFFF800  }
0x10a: {  	_ =	swait.ge [sflag:s28], $0x2000  }
0x10b: {  	[sflag:s28] =	ssyncset.done $0x0  }
0x10c: {  	[sflag:s28] =	ssyncadd.s32 $0xFFFFE000  }
0x10d: {  	_ =	swait.ge [sflag:s29], $0x800  }
0x10e: {  	[sflag:s29] =	ssyncset.done $0x0  }
0x10f: {  	[sflag:s29] =	ssyncadd.s32 $0xFFFFF800  }
0x110: {  	_ =	swait.ge [sflag:s28], $0x2000  }
0x111: {  	[sflag:s28] =	ssyncset.done $0x0  }
0x112: {  	[sflag:s28] =	ssyncadd.s32 $0xFFFFE000  }
0x113: {  	_ =	swait.ge [sflag:s29], $0x800  }
0x114: {  	[sflag:s29] =	ssyncset.done $0x0  }
0x115: {  	[sflag:s29] =	ssyncadd.s32 $0xFFFFF800  }
0x116: {  	_ =	swait.ge [sflag:s28], $0x2000  }
0x117: {  	[sflag:s28] =	ssyncset.done $0x0  }
0x118: {  	[sflag:s28] =	ssyncadd.s32 $0xFFFFE000  }
0x119: {  	_ =	swait.ge [sflag:s29], $0x800  }
0x11a: {  	[sflag:s29] =	ssyncset.done $0x0  }
0x11b: {  	[sflag:s29] =	ssyncadd.s32 $0xFFFFF800  }
0x11c: {  	_ =	swait.ge [sflag:s28], $0x2000  }
0x11d: {  	[sflag:s28] =	ssyncset.done $0x0  }
0x11e: {  	[sflag:s28] =	ssyncadd.s32 $0xFFFFE000  }
0x11f: {  	_ =	swait.ge [sflag:s29], $0x800  }
0x120: {  	[sflag:s29] =	ssyncset.done $0x0  }
0x121: {  	s6 =	sadd.s32 $0x2000, s7;
	[sflag:s29] =	ssyncadd.s32 $0xFFFFF800  }
0x122: {  	[hbm4b:s6+s2] =	stream.linear.scatter [tilespmem:s10], [sflag:$0x3], $0x10000, $0x38;
	[tilespmem:$0x14400] =	vst v63  }
0x123: {  	_ =	swait.ge [sflag:s8], $0x10000  }
0x124: {  	[sflag:s8] =	ssyncset.done $0x0  }
0x125: {  	s7 =	sadd.s32 $0x800, s31;
	[sflag:s8] =	ssyncadd.s32 $0xFFFF0000  }
0x126: {  	[hbm4b:s7+s2] =	stream.linear.scatter [tilespmem:s11], [sflag:$0x3], $0x4000, $0x38;
	[tilespmem:$0x14400] =	vst v63  }
0x127: {  	_ =	swait.ge [sflag:s8], $0x4000  }
0x128: {  	s30 =	sadd.s32 $0x1, s30;
	s31 =	rddreg [dreg:$0x9]  }
0x129: {  	p0 =	sne.s32 s30, s31  }
.Ltmp1:
0x12a: {  	_ = 	snop;
	(pc) =	sbr.rel @p0 .LBB2_1-.Ltmp1, $3  }
0x12b: {  	_ =	sdelay $0x1  }
0x12c: {  	[sflag:s8] =	ssyncset.done $0x0  }
0x12d: {  	[sflag:s8] =	ssyncadd.s32 $0xFFFFC000  }
0x12e: {  	_ =	sfence.sel $0x180000  }
0x12f: {  	[bflag:$0x0] =	sbarrier.arrive $0xFFFF  }
0x130: {  	_ =	strace $0x90000047  }
0x131: {  	s0 =	stileid.u32;
	[bflag:$0x2] =	sbarrier.arrive $0xFFFF  }
0x132: {  	p0 =	sne.s32 s0, $0x0;
	s0 =	rddreg [dreg:$0x2]  }
0x133: {  	s0 =	sadd.s32 @!p0 $0x100000, s0  }
0x134: {  	[sflag:s0] =	ssyncadd.tile.s32 @!p0 $0x1;
	_ =	shalt  }
.Lfunc_end2:
_tile_overlayer_lowered:
.L_overlay_start_2:
0x135: {  	(tag) =	ssettag $0x2  }
0x136: {  	s0 =	rddreg [dreg:$0x0];
	s2 =	stileid.u32  }
0x137: {  	s1 =	rddreg [dreg:$0x1];
	p0 =	sne.s32 s2, $0x0  }
0x138: {  	s3 =	rddreg [dreg:$0x2];
	[bflag:$0x3] =	sbarrier.arrive $0xFFFF;
	s2 =	simm.s32 @!p0 $0x1C03  }
0x139: {  	[timem:s3], [sflag:s2] =	dma.local @!p0 [hbm:s0], s1  }
0x13a: {  	s0 =	simm.s32 @!p0 $0x3  }
0x13b: {  	_ =	swait.ge @!p0 [sflag:s0], s1  }
0x13c: {  	s1 =	ssub.s32 @!p0 $0x0, s1;
	[sflag:s0] =	ssyncset.done @!p0 $0x0  }
0x13d: {  	[sflag:s0] =	ssyncadd.s32 @!p0 s1  }
0x13e: {  	[bflag:$0x3] =	sbarrier.arrive $0xFFFF  }
0x13f: {  	_ =	shalt  }

// kernel: sparse-core-data-format-call.cloned.1.call-start
scs
called_computation_lowered:
.L_overlay_start_0:
0x0: {  	s2 =	sld [smem:$0x3FD9]  }
0x1: {  	s3 =	sld [smem:$0x3FFE];
	_ =	sdelay $0x1  }
0x2: {  	s1 =	srdreg.scid  }
0x3: {  	s0 =	sand.u32 $0x1, s1  }
0x4: {  	s18 =	sshll.u32 s0, $0xA;
	s2 =	sadd.s32 s3, s2  }
0x5: {  	s2 =	sadd.s32 s2, s18  }
0x6: {  	[smem:$0x3FC4] =	sst s2  }
0x7: {  	_ = 	snop  }
0x8: {  	s2 =	sld [smem:$0x3FD0];
	(tm) =	ssettm $0x1  }
0x9: {  	s19 =	sld [smem:$0x3FFB];
	_ =	sdelay $0x3  }
0xa: {  	_ =	strace s19  }
0xb: {  	s3 =	sld [smem:$0x3FFC];
	_ =	sdelay $0x3  }
0xc: {  	_ =	strace s3  }
0xd: {  	s3 =	sld [smem:$0x3FFD];
	_ =	sdelay $0x3  }
0xe: {  	_ =	strace s3  }
0xf: {  	_ =	strace $0x8FFFFFFF  }
0x10: {  	s20 =	sld [smem:$0x3FDB];
	_ =	sdelay $0x1  }
0x11: {  	s4 =	simm.s32 $_scs_section_size  }
0x12: {  	s5 =	simm.s32 $_size__tile_overlayer_lowered;
	s6 =	simm.s32 $_tile_overlayer_lowered  }
0x13: {  	s23 =	simm.s32 $0x1BFF;
	s22 =	sshll.u32 s6, $0x1;
	s3 =	sadd.s32 s4, s20  }
0x14: {  	s7 =	simm.s32 $0x0;
	s21 =	sshll.u32 s5, $0x1;
	s5 =	sadd.s32 s22, s3  }
0x15: {  	[timem:s7], [sflag:s23] =	dma.local [hbm:s5], s21  }
0x16: {  	_ =	swait.ge [sflag:s23], s21  }
0x17: {  	s4 =	ssub.s32 $0x0, s21;
	[sflag:s23] =	ssyncset.done $0x0  }
0x18: {  	[sflag:s23] =	ssyncadd.s32 s4;
	_ =	sdelay $0x1  }
0x19: {  	s24 =	simm.s32 $0x1B8B  }
0x1a: {  	_ =	swait.ge [sflag:s24], $0x1  }
0x1b: {  	[sflag:s24] =	ssyncset.done $0x0  }
0x1c: {  	s26 =	simm.s32 $0x1B8E;
	s25 =	sld [smem:$0x3FFE];
	[sflag:s24] =	ssyncadd.s32 $0xFFFFFFFF  }
0x1d: {  	s27 =	simm.s32 $execute0_lowered;
	[smem:$0x3FD2] =	sst s26  }
0x1e: {  	s5 =	sshll.u32 s27, $0x1;
	_ =	strace $0x80000049;
	[dreg:$0x1] =	wrdreg $0xFFFFFFFF  }
0x1f: {  	s28 =	simm.s32 $_size_execute0_lowered;
	s3 =	sadd.s32 s3, s5;
	[dreg:$0x0] =	wrdreg $0x0  }
0x20: {  	s5 =	sshll.u32 s28, $0x1;
	[dreg:$0x2] =	wrdreg s3  }
0x21: {  	[dreg:$0x3] =	wrdreg s5  }
0x22: {  	[dreg:$0x4] =	wrdreg $0xC0  }
0x23: {  	_ =	task [dreg:s7], $0x5FFFF  }
0x24: {  	[dreg:$0x1] =	wrdreg $0xFFFFFFFF  }
0x25: {  	[dreg:$0x0] =	wrdreg $0x60  }
0x26: {  	[dreg:$0x2] =	wrdreg s25  }
0x27: {  	[dreg:$0x3] =	wrdreg s2  }
0x28: {  	[dreg:$0x4] =	wrdreg $0x9  }
0x29: {  	_ =	task.clear_ibuf [dreg:s7], $0x5FFFF;
	_ =	strace $0x90000049  }
0x2a: {  	s29 =	simm.s32 $0x9;
	_ =	strace $0x8000004B  }
0x2b: {  	_ =	swait.ge [sflag:s29], $0x1  }
0x2c: {  	[sflag:s29] =	ssyncadd.s32 $0xFFFFFFFF  }
0x2d: {  	_ =	strace $0x9000004B  }
0x2e: {  	_ =	sfence  }
0x2f: {  	s30 =	sld [smem:$0x0];
	_ =	sdelay $0x2  }
0x30: {  	s31 =	sshll.u32 s1, $0xD;
	s1 =	sshrl.u32 s1, $0x2  }
0x31: {  	s3 =	sand.u32 $0x4000, s31;
	s1 =	sadd.s32 s1, s30  }
0x32: {  	s0 =	sor.u32 s3, s0;
	s1 =	sshll.u32 s1, $0x11  }
0x33: {  	s0 =	sor.u32 s1, s0  }
0x34: {  	s0 =	sadd.s32 $0x8F2B, s0  }
0x35: {  	[sflag:s0] =	ssyncadd.remote.s32 $0x1  }
0x36: {  	_ =	sfence.sel $0xFFFF  }
0x37: {  	[dreg:$0x0] =	wrdreg $0xFFFFFFFF;
	(pc) =	sbr.abs _section_cstart, $3  }
0x38: {  	[dreg:$0x1] =	wrdreg $0xFFFFFFFF  }
0x39: {  	_ =	task.clear_ibuf [dreg:s7], $0x2FFFF;
	_ =	strace $0x9FFFFFFF  }
0x3a: {  	(tm) =	ssettm $0x7FFFFFFF  }
0x3b: {  	_ =	shalt  }
tec
execute0_lowered:
.L_overlay_start_1:
0x0: {  	(tag) =	ssettag $0x1  }
0x1: {  	s0 =	srdreg.scid  }
0x2: {  	s1 =	sshll.u32 s0, $0x4  }
0x3: {  	s0 =	stileid.u32;
	s1 =	sand.u32 $0x10, s1  }
0x4: {  	s1 =	sor.u32 s0, s1  }
0x5: {  	s6 =	rddreg [dreg:$0x0];
	s4 =	simm.s32 $0x1;
	s2 =	sshll.u32 s1, $0x7  }
0x6: {  	s7 =	simm.s32 $0x2;
	s12 =	simm.s32 $0x0;
	s1 =	ssub.s32 $0x1000, s2  }
0x7: {  	s8 =	simm.s32 $0x8000;
	s13 =	simm.s32 $0x0;
	s3 =	sand.u32 $0xF80, s1  }
0x8: {  	s9 =	simm.s32 $0x0;
	s5 =	sshrl.u32 s1, $0xC;
	p0 =	sne.s32 s3, $0x0  }
.Ltmp0:
0x9: {  	s1 =	rddreg [dreg:$0x2];
	s4 =	simm.s32 @!p0 $0x0;
	(pc) =	sbr.rel .LBB1_1-.Ltmp0, $4  }
0xa: {  	s11 =	simm.s32 $0x0;
	s3 =	rddreg [dreg:$0x1];
	s5 =	sadd.s32 s4, s5  }
0xb: {  	_ =	strace $0x8000004A;
	s4 =	simm.s32 $0x1;
	s5 =	smul.u32 $0xC8, s5  }
0xc: {  	s6 =	sadd.s32 $0x1AAA400, s6;
	s10 =	smov.u32 s2;
	[sflag:s4] =	ssyncpa.u1 $0x0  }
0xd: {  	p0 =	por $0x0, $0x0;
	[sflag:s7] =	ssyncpa.u1 $0x0;
	s7 =	sor.u32 $0x1, s5  }
.LBB1_4:
0xe: {  	s16 =	sshll.u32 s13, $0x3;
	s17 =	sand.u32 $0x78, s13  }
0xf: {  	s30 =	sand.u32 $0x7E00, s13;
	s12 =	sshll.u32 s12, $0xF;
	s16 =	sand.u32 $0xC00, s16  }
0x10: {  	[tilespmem:s15+$0x810 ss:$0x81] =	vst.msk $0xffff, v2;
	s31 =	sand.u32 $0x7, s13;
	s16 =	sor.u32 s17, s16;
	s17 =	sadd.s32 s3, s30  }
0x11: {  	[tilespmem:s15+$0x1020 ss:$0x81] =	vst.msk $0xffff, v0;
	s13 =	sshll.u32 s31, $0x12;
	s12 =	sadd.s32 s12, s17;
	s16 =	sshrl.u32 s16, $0x3  }
0x12: {  	[tilespmem:s15+$0x0 ss:$0x81] =	vst.msk $0xffff, v1;
	s13 =	sor.u32 $0x400, s13;
	s12 =	sadd.s32 s16, s12  }
0x13: {  	[hbm4b:s12+s13] =	stream.strided.scatter [tilespmem:s14], [sflag:$0x2], $0x2000, s8, s13, $0x20;
	[tilespmem:$0x8080] =	vst v63  }
.LBB1_5:
0x14: {  	s14 =	sadd.s32 $0x1, s9  }
0x15: {  	s12 =	sadd.s32 $0x1000, s10;
	s16 =	smov.u32 s10;
	p2 =	sgt.s32 s14, $0xC7  }
0x16: {  	s16 =	smov.u32 @p2 s12  }
0x17: {  	s14 =	simm.s32 @p2 $0x0;
	p2 =	sgt.s32 s16, $0xFFF  }
0x18: {  	s16 =	smov.u32 @p2 s2;
	p2 =	sne.s32 s11, s7  }
.Ltmp1:
0x19: {  	p1 =	slt.u32 s11, $0x2;
	(pc) =	sbr.rel @!p2 .LBB1_6-.Ltmp1, $4  }
0x1a: {  	s15 =	simm.s32 @!p1 $0x2  }
0x1b: {  	s13 =	smov.u32 s10;
	p0 =	por !p0, !p0;
	_ =	swait.ge @!p1 [sflag:s15], $0x2000  }
0x1c: {  	s12 =	smov.u32 s9;
	[sflag:s15] =	ssyncset.done @!p1 $0x0;
	s9 =	smov.u32 s14  }
0x1d: {  	s11 =	sadd.s32 $0x1, s11;
	[sflag:s15] =	ssyncadd.s32 @!p1 $0xFFFFE000;
	s10 =	smov.u32 s16  }
.LBB1_1:
0x1e: {  	p1 =	sge.u32 s11, s5  }
0x1f: {  	s14 =	sand.u32 @!p1 $0x1FFFFFF, s9  }
0x20: {  	s15 =	smulhi.u32 @!p1 $0x147AE15, s14;
	_ =	sdelay $0x1  }
0x21: {  	s15 =	smul.u32 @!p1 $0xC8, s15  }
0x22: {  	s16 =	sxor.u32 @!p1 $0xFFFFFFFF, s11;
	s17 =	smul.u32 @!p1 $0xC80, s10  }
0x23: {  	s31 =	sadd.s32 $0xFFFFFFFF, s11;
	s16 =	sshll.u32 @!p1 s16, $0xD;
	s14 =	ssub.s32 @!p1 s14, s15  }
0x24: {  	s15 =	sand.u32 @!p1 $0x2000, s16;
	s16 =	sadd.s32 @!p1 s6, s17;
	s14 =	sshll.u32 @!p1 s14, $0x4  }
0x25: {  	s17 =	simm.s32 @!p1 $0x6400;
	s14 =	sadd.s32 @!p1 s14, s16;
	s16 =	simm.s32 @!p1 $0x40  }
0x26: {  	[tilespmem:s15], [sflag:$0x1] =	stream.strided.gather @!p1 [hbm4b:s14+s16], $0x2000, s17, s16, $0x38;
	[tilespmem:$0x8080] =	vst v63  }
0x27: {  	p1 =	sge.u32 s31, s5  }
.Ltmp2:
0x28: {  	_ = 	snop;
	(pc) =	sbr.rel @p1 .LBB1_5-.Ltmp2, $1  }
0x29: {  	_ =	sdelay $0x3  }
0x2a: {  	s14 =	simm.s32 $0x1  }
0x2b: {  	_ =	swait.ge [sflag:s4], $0x2000;
	s14 =	simm.s32 @!p0 $0x0  }
0x2c: {  	[sflag:s4] =	ssyncset.done $0x0;
	s15 =	sshll.u32 s14, $0xD  }
0x2d: {  	[sflag:s4] =	ssyncadd.s32 $0xFFFFE000;
	s18 =	sor.u32 $0x20, s15  }
0x2e: {  	s14 =	smul.u32 $0x8100, s14;
	v3 =	vld [tilespmem:s18+$0x10]  }
0x2f: {  	s30 =	sand.u32 $0x1, s11;
	v2 =	vld [tilespmem:s18+$0xFFFFFFF0]  }
0x30: {  	s15 =	smul.u32 $0x8100, s30;
	s14 =	sshrl.u32 s14, $0x2;
	v0 =	vld [tilespmem:s18+$0x0]  }
0x31: {  	v1 =	vld [tilespmem:s18+$0xFFFFFFE0];
	s16 =	sor.u32 $0x4000, s14  }
0x32: {  	s31 =	sshrl.u32 s15, $0x2;
	s15 =	sadd.s32 $0x0, s16  }
0x33: {  	s17 =	simm.s32 $0x4;
	s18 =	sadd.s32 $0x40, s18;
	s14 =	sor.u32 $0x4000, s31;
	[tilespmem:s15+$0x1830 ss:$0x81] =	vst.msk $0xffff, v3  }
.LBB1_3:
0x34: {  	v3 =	vld [tilespmem:s18+$0x10];
	p1 =	sne.s32 s17, $0x1FC;
	[tilespmem:s15+$0x810 ss:$0x81] =	vst.msk $0xffff, v2;
	s19 =	smov.u32 s17;
	s17 =	sadd.s32 $0x4, s17  }
.Ltmp3:
0x35: {  	v2 =	vld [tilespmem:s18+$0xFFFFFFF0];
	[tilespmem:s15+$0x1020 ss:$0x81] =	vst.msk $0xffff, v0;
	(pc) =	sbr.rel @p1 .LBB1_3-.Ltmp3, $4  }
0x36: {  	v0 =	vld [tilespmem:s18+$0x0];
	[tilespmem:s15+$0x0 ss:$0x81] =	vst.msk $0xffff, v1  }
0x37: {  	s15 =	sshra.s32 s19, $0x2;
	v1 =	vld [tilespmem:s18+$0xFFFFFFE0]  }
0x38: {  	s15 =	sadd.s32 s15, s16  }
0x39: {  	s18 =	sadd.s32 $0x40, s18;
	[tilespmem:s15+$0x1830 ss:$0x81] =	vst.msk $0xffff, v3  }
.Ltmp4:
0x3a: {  	_ = 	snop;
	(pc) =	sbr.rel .LBB1_4-.Ltmp4, $1  }
0x3b: {  	_ =	sdelay $0x3  }
.LBB1_6:
0x3c: {  	_ =	sfence.sel $0x180000  }
0x3d: {  	s2 =	simm.s32 $0x1;
	[bflag:$0x0] =	sbarrier.arrive $0xFFFF  }
0x3e: {  	s31 =	simm.s32 $0x2;
	[sflag:s2] =	ssyncpa.u1 $0x1  }
0x3f: {  	[sflag:s31] =	ssyncpa.u1 $0x1  }
0x40: {  	p0 =	sne.s32 s0, $0x0;
	_ =	strace $0x9000004A  }
0x41: {  	s0 =	sadd.s32 @!p0 $0x100000, s1;
	[bflag:$0x2] =	sbarrier.arrive $0xFFFF  }
0x42: {  	[sflag:s0] =	ssyncadd.tile.s32 @!p0 $0x1;
	_ =	shalt  }
.Lfunc_end1:
_tile_overlayer_lowered:
.L_overlay_start_2:
0x43: {  	(tag) =	ssettag $0x2  }
0x44: {  	s0 =	rddreg [dreg:$0x0];
	s2 =	stileid.u32  }
0x45: {  	s1 =	rddreg [dreg:$0x1];
	p0 =	sne.s32 s2, $0x0  }
0x46: {  	s3 =	rddreg [dreg:$0x2];
	[bflag:$0x3] =	sbarrier.arrive $0xFFFF;
	s2 =	simm.s32 @!p0 $0x1C01  }
0x47: {  	[timem:s3], [sflag:s2] =	dma.local @!p0 [hbm:s0], s1  }
0x48: {  	s0 =	simm.s32 @!p0 $0x1  }
0x49: {  	_ =	swait.ge @!p0 [sflag:s0], s1  }
0x4a: {  	s1 =	ssub.s32 @!p0 $0x0, s1;
	[sflag:s0] =	ssyncset.done @!p0 $0x0  }
0x4b: {  	[sflag:s0] =	ssyncadd.s32 @!p0 s1  }
0x4c: {  	[bflag:$0x3] =	sbarrier.arrive $0xFFFF  }
0x4d: {  	_ =	shalt  }

</sc_bundles>
